<compile_context>
chip_gen: v7x
topology: tpu7x:2x2x1
jax: 0.10.2.dev20260603
libtpu: 0.0.44.dev20260713+nightly
codegen_flags: <defaults>
</compile_context>

<pallas_src>
import functools

import jax
import jax.numpy as jnp
from jax import lax
from jax.experimental import pallas as pl
from jax.experimental.pallas import tpu as pltpu
from jax.experimental.pallas import tpu_sc as plsc

_NC = 2
_NS = 16
_L = 16
_NW = _NC * _NS

_C = 128
_KC = 80
_KCB = 8


def _edge_mm_body(ea_ref, we_ref, be_ref, out_ref):
    out_ref[...] = (
        jnp.dot(ea_ref[...], we_ref[...], preferred_element_type=jnp.float32)
        + be_ref[...]
    )


def _edge_project(edge_attr, We, be, e_rows):
    E, ED = edge_attr.shape
    D = We.shape[1]
    BE = 4096
    grid = e_rows // BE
    return pl.pallas_call(
        _edge_mm_body,
        grid=(grid,),
        in_specs=[
            pl.BlockSpec((BE, ED), lambda i: (i, 0)),
            pl.BlockSpec((ED, D), lambda i: (0, 0)),
            pl.BlockSpec((1, D), lambda i: (0, 0)),
        ],
        out_specs=pl.BlockSpec((BE, D), lambda i: (i, 0)),
        out_shape=jax.ShapeDtypeStruct((e_rows, D), jnp.float32),
    )(edge_attr, We, be.reshape(1, D))


def _make_sc_agg(N, NP, D, KC):
    RPT = NP // _NS
    KOUT = RPT // _C
    mesh = plsc.VectorSubcoreMesh(core_axis_name="c", subcore_axis_name="s",
                                  num_cores=_NC, num_subcores=_NS)

    @functools.partial(
        pl.kernel,
        mesh=mesh,
        out_type=jax.ShapeDtypeStruct((_NC * NP, D), jnp.float32),
        scratch_types=[
            pltpu.VMEM((_KCB, _C), jnp.int32),
            pltpu.VMEM((_KCB, _C), jnp.int32),
            pltpu.VMEM((_C, D), jnp.float32),
            pltpu.VMEM((_C, D), jnp.float32),
            pltpu.VMEM_SHARED((NP, D), jnp.float32),
            pltpu.SemaphoreType.DMA,
        ],
    )
    def sc_agg(x_hbm, src_hbm, dst_hbm, e_hbm, out_hbm,
               src_v, dst_v, xv, ev, agg, sem):
        c = lax.axis_index("c")
        s = lax.axis_index("s")
        wid = c * _NS + s

        def zrow(r, carry):
            for cc in range(D // _L):
                xv[r, pl.ds(cc * _L, _L)] = jnp.zeros((_L,), jnp.float32)
            return carry

        lax.fori_loop(0, _C, zrow, 0)
        for k in range(KOUT):
            pltpu.sync_copy(
                xv, agg.at[pl.ds(pl.multiple_of(s * RPT + k * _C, 8), _C)])
        plsc.subcore_barrier()

        def blk(jj, carry):
            ibase = pl.multiple_of(wid * KC + jj * _KCB, 8)
            pltpu.sync_copy(src_hbm.at[pl.ds(ibase, _KCB)], src_v)
            pltpu.sync_copy(dst_hbm.at[pl.ds(ibase, _KCB)], dst_v)

            def chunk(jb, carry1):
                erow = pl.multiple_of(
                    (wid * KC + jj * _KCB + jb) * _C, 8)
                pltpu.sync_copy(e_hbm.at[pl.ds(erow, _C)], ev)
                pltpu.async_copy(x_hbm.at[src_v.at[jb]], xv, sem).wait()

                def row(r, carry2):
                    for cc in range(D // _L):
                        sl = pl.ds(cc * _L, _L)
                        xv[r, sl] = jnp.maximum(xv[r, sl] + ev[r, sl], 0.0)
                    return carry2

                lax.fori_loop(0, _C, row, 0)
                pltpu.sync_copy(xv, agg.at[dst_v.at[jb]], add=True)
                return carry1

            lax.fori_loop(0, _KCB, chunk, 0)
            return carry

        lax.fori_loop(0, KC // _KCB, blk, 0)
        plsc.subcore_barrier()

        for k in range(KOUT):
            off = pl.multiple_of(s * RPT + k * _C, 8)
            pltpu.sync_copy(agg.at[pl.ds(off, _C)],
                            out_hbm.at[pl.ds(pl.multiple_of(c * NP, 8) + off,
                                             _C)])

    return sc_agg


def _mlp_body(x_ref, pa0_ref, pa1_ref, pb0_ref, pb1_ref, w1_ref, b1_ref,
              w2_ref, b2_ref, g_ref, bb_ref, o_ref):
    h = (x_ref[...] + pa0_ref[0] + pa1_ref[0] + pb0_ref[0] + pb1_ref[0])
    t = jnp.maximum(
        jnp.dot(h, w1_ref[...], preferred_element_type=jnp.float32)
        + b1_ref[...], 0.0)
    h2 = (jnp.dot(t, w2_ref[...], preferred_element_type=jnp.float32)
          + b2_ref[...])
    mu = jnp.mean(h2, axis=-1, keepdims=True)
    var = jnp.mean((h2 - mu) ** 2, axis=-1, keepdims=True)
    hn = (h2 - mu) * lax.rsqrt(var + 1e-5) * g_ref[...] + bb_ref[...]
    o_ref[...] = jnp.maximum(hn, 0.0)


def _node_update(x, pa3, pb3, W1, b1, W2, b2, gamma, beta):
    N, D = x.shape
    BN = 2000
    grid = N // BN
    full = lambda i: (0, 0)
    return pl.pallas_call(
        _mlp_body,
        grid=(grid,),
        in_specs=[
            pl.BlockSpec((BN, D), lambda i: (i, 0)),
            pl.BlockSpec((1, BN, D), lambda i: (0, i, 0)),
            pl.BlockSpec((1, BN, D), lambda i: (1, i, 0)),
            pl.BlockSpec((1, BN, D), lambda i: (0, i, 0)),
            pl.BlockSpec((1, BN, D), lambda i: (1, i, 0)),
            pl.BlockSpec((D, D), full),
            pl.BlockSpec((1, D), full),
            pl.BlockSpec((D, D), full),
            pl.BlockSpec((1, D), full),
            pl.BlockSpec((1, D), full),
            pl.BlockSpec((1, D), full),
        ],
        out_specs=pl.BlockSpec((BN, D), lambda i: (i, 0)),
        out_shape=jax.ShapeDtypeStruct((N, D), jnp.float32),
    )(x, pa3, pa3, pb3, pb3, W1, b1.reshape(1, D), W2, b2.reshape(1, D),
      gamma.reshape(1, D), beta.reshape(1, D))


def kernel(x, edge_index, edge_attr, We, be, W1, b1, W2, b2, gamma, beta):
    N, D = x.shape
    E = edge_attr.shape[0]
    EP = _NW * _KC * _C
    EPH = EP // 2
    KCH = _KC // 2
    NP = ((N // _NS) // _C + 1) * _C * _NS
    pad = EP - E

    eaA = edge_attr[:EPH]
    eaB = jnp.concatenate([edge_attr[EPH:],
                           jnp.zeros((pad, edge_attr.shape[1]), jnp.float32)])
    srcA = edge_index[0][:EPH].reshape(EPH // _C, _C)
    dstA = edge_index[1][:EPH].reshape(EPH // _C, _C)
    srcB = jnp.concatenate(
        [edge_index[0][EPH:], jnp.zeros((pad,), jnp.int32)]
    ).reshape(EPH // _C, _C)
    pad_dst = N + jnp.arange(pad, dtype=jnp.int32) % (NP - N)
    dstB = jnp.concatenate(
        [edge_index[1][EPH:], pad_dst]).reshape(EPH // _C, _C)

    sc = _make_sc_agg(N, NP, D, KCH)
    eA = _edge_project(eaA, We, be, EPH)
    pA = sc(x, srcA, dstA, eA)
    eB = _edge_project(eaB, We, be, EPH)
    pB = sc(x, srcB, dstB, eB)
    return _node_update(x, pA.reshape(_NC, NP, D), pB.reshape(_NC, NP, D),
                        W1, b1, W2, b2, gamma, beta)

# --- scband reference (transcript-rebuilt; emitter-appended) ---
"""Pipeline reference for scband-gineblock-49795850830259 (READ-ONLY COPY).

The authoritative reference and input builder live on the scoring server;
editing this copy changes nothing except your own understanding.
"""

import jax, jax.numpy as jnp
import numpy as np

N = 10000
E = 320000
D = 128
ED = 16


def setup_inputs(seed: int = 0) -> dict:
    key = jax.random.key(seed)
    ks = jax.random.split(key, 10)
    x = jax.random.normal(ks[0], (N, D), dtype=jnp.float32)
    edge_index = jax.random.randint(ks[1], (2, E), 0, N, dtype=jnp.int32)
    edge_attr = jax.random.normal(ks[2], (E, ED), dtype=jnp.float32)
    # GINEConv edge projection: Linear(edge_dim -> in_dim)
    We = jax.random.normal(ks[3], (ED, D), dtype=jnp.float32) * 0.05
    be = jnp.zeros((D,), dtype=jnp.float32)
    # nn = Sequential(Linear(in_dim, out_dim), ReLU, Linear(out_dim, out_dim))
    W1 = jax.random.normal(ks[4], (D, D), dtype=jnp.float32) * 0.05
    b1 = jnp.zeros((D,), dtype=jnp.float32)
    W2 = jax.random.normal(ks[5], (D, D), dtype=jnp.float32) * 0.05
    b2 = jnp.zeros((D,), dtype=jnp.float32)
    # LayerNorm params
    gamma = jnp.ones((D,), dtype=jnp.float32)
    beta = jnp.zeros((D,), dtype=jnp.float32)
    return {"x": x, "edge_index": edge_index, "edge_attr": edge_attr,
            "We": We, "be": be, "W1": W1, "b1": b1, "W2": W2, "b2": b2,
            "gamma": gamma, "beta": beta}


def reference(x, edge_index, edge_attr, We, be, W1, b1, W2, b2, gamma, beta):
    src = edge_index[0]
    dst = edge_index[1]
    # GINEConv message: ReLU(x_j + lin(edge_attr))
    e = edge_attr @ We + be                      # [E, D]
    msg = jax.nn.relu(jnp.take(x, src, axis=0) + e)  # gather x_j
    # sum aggregation at destination nodes (scatter-add)
    agg = jax.ops.segment_sum(msg, dst, num_segments=x.shape[0])  # [N, D]
    # update: nn((1 + eps) * x + aggr), eps = 0 (default, not trained)
    h = x + agg
    h = jax.nn.relu(h @ W1 + b1) @ W2 + b2
    # LayerNorm over last dim
    mu = jnp.mean(h, axis=-1, keepdims=True)
    var = jnp.var(h, axis=-1, keepdims=True)
    hn = (h - mu) / jnp.sqrt(var + 1e-5) * gamma + beta
    return jax.nn.relu(hn)

if __name__ == "__main__":
    import jax
    _d = setup_inputs()
    print(jax.jit(kernel)(*tuple(_d.values())))

</pallas_src>

<mosaic_0001>
#map = affine_map<(d0, d1) -> (0, 0)>
module attributes {stable_mosaic.version = 14 : i64} {
  func.func @sc_agg(%arg0: i32, %arg1: i32, %arg2: memref<10000x128xf32, #tpu.memory_space<hbm>>, %arg3: memref<1280x128xi32, #tpu.memory_space<hbm>>, %arg4: memref<1280x128xi32, #tpu.memory_space<hbm>>, %arg5: memref<163840x128xf32, #tpu.memory_space<hbm>>, %arg6: memref<20480x128xf32, #tpu.memory_space<hbm>>, %arg7: memref<8x128xi32, #tpu.memory_space<vmem>>, %arg8: memref<8x128xi32, #tpu.memory_space<vmem>>, %arg9: memref<128x128xf32, #tpu.memory_space<vmem>>, %arg10: memref<128x128xf32, #tpu.memory_space<vmem>>, %arg11: memref<10240x128xf32, #tpu.memory_space<vmem_shared>>, %arg12: memref<!tpu.dma_semaphore, #tpu.memory_space<semaphore_mem>>) attributes {dimension_semantics = [#tpu.dimension_semantics<core_parallel>, #tpu.dimension_semantics<subcore_parallel>], iteration_bounds = array<i64: 2, 16>, scalar_prefetch = 0 : i64, scratch_operands = 6 : i64, tpu.core_type = #tpu.core_type<sc_vector_subcore>, window_params = [{transform_indices = #map}, {transform_indices = #map}, {transform_indices = #map}, {transform_indices = #map}, {transform_indices = #map}]} {
    %mul3A = arith.constant 16 : i32
    %mul3A_0 = arith.muli %arg0, %mul3A : i32
    %add3A = arith.addi %mul3A_0, %arg1 : i32
    %scan3A = arith.constant 0 : i32
    %scan3A_1 = arith.constant 0 : i32
    %scan3A_2 = arith.constant 128 : i32
    %scan3A_3 = arith.addi %scan3A_1, %scan3A_2 : i32
    %scan3A_4 = arith.constant 1 : i32
    scf.for %scan3A_82 = %scan3A_1 to %scan3A_3 step %scan3A_4  : i32 {
      %broadcast_in_dim3A = arith.constant 0.000000e+00 : f32
      %broadcast_in_dim3A_83 = vector.broadcast %broadcast_in_dim3A : f32 to vector<16xf32>
      %swap3A = arith.index_cast %scan3A_82 : i32 to index
      %swap3A_84 = arith.constant 0 : index
      %swap3A_85 = tpu.vector_load %arg9[%swap3A, %swap3A_84] {strides = array<i32>} : memref<128x128xf32, #tpu.memory_space<vmem>>, vector<1x16xf32>,
      %swap3A_86 = vector.shape_cast %swap3A_85 : vector<1x16xf32> to vector<16xf32>
      %swap3A_87 = vector.shape_cast %broadcast_in_dim3A_83 : vector<16xf32> to vector<1x16xf32>
      tpu.vector_store %arg9[%swap3A, %swap3A_84], %swap3A_87 {strides = array<i32>} : memref<128x128xf32, #tpu.memory_space<vmem>>, vector<1x16xf32>,
      %broadcast_in_dim3A_88 = arith.constant 0.000000e+00 : f32
      %broadcast_in_dim3A_89 = vector.broadcast %broadcast_in_dim3A_88 : f32 to vector<16xf32>
      %swap3A_90 = arith.index_cast %scan3A_82 : i32 to index
      %swap3A_91 = arith.constant 16 : index
      %swap3A_92 = tpu.vector_load %arg9[%swap3A_90, %swap3A_91] {strides = array<i32>} : memref<128x128xf32, #tpu.memory_space<vmem>>, vector<1x16xf32>,
      %swap3A_93 = vector.shape_cast %swap3A_92 : vector<1x16xf32> to vector<16xf32>
      %swap3A_94 = vector.shape_cast %broadcast_in_dim3A_89 : vector<16xf32> to vector<1x16xf32>
      tpu.vector_store %arg9[%swap3A_90, %swap3A_91], %swap3A_94 {strides = array<i32>} : memref<128x128xf32, #tpu.memory_space<vmem>>, vector<1x16xf32>,
      %broadcast_in_dim3A_95 = arith.constant 0.000000e+00 : f32
      %broadcast_in_dim3A_96 = vector.broadcast %broadcast_in_dim3A_95 : f32 to vector<16xf32>
      %swap3A_97 = arith.index_cast %scan3A_82 : i32 to index
      %swap3A_98 = arith.constant 32 : index
      %swap3A_99 = tpu.vector_load %arg9[%swap3A_97, %swap3A_98] {strides = array<i32>} : memref<128x128xf32, #tpu.memory_space<vmem>>, vector<1x16xf32>,
      %swap3A_100 = vector.shape_cast %swap3A_99 : vector<1x16xf32> to vector<16xf32>
      %swap3A_101 = vector.shape_cast %broadcast_in_dim3A_96 : vector<16xf32> to vector<1x16xf32>
      tpu.vector_store %arg9[%swap3A_97, %swap3A_98], %swap3A_101 {strides = array<i32>} : memref<128x128xf32, #tpu.memory_space<vmem>>, vector<1x16xf32>,
      %broadcast_in_dim3A_102 = arith.constant 0.000000e+00 : f32
      %broadcast_in_dim3A_103 = vector.broadcast %broadcast_in_dim3A_102 : f32 to vector<16xf32>
      %swap3A_104 = arith.index_cast %scan3A_82 : i32 to index
      %swap3A_105 = arith.constant 48 : index
      %swap3A_106 = tpu.vector_load %arg9[%swap3A_104, %swap3A_105] {strides = array<i32>} : memref<128x128xf32, #tpu.memory_space<vmem>>, vector<1x16xf32>,
      %swap3A_107 = vector.shape_cast %swap3A_106 : vector<1x16xf32> to vector<16xf32>
      %swap3A_108 = vector.shape_cast %broadcast_in_dim3A_103 : vector<16xf32> to vector<1x16xf32>
      tpu.vector_store %arg9[%swap3A_104, %swap3A_105], %swap3A_108 {strides = array<i32>} : memref<128x128xf32, #tpu.memory_space<vmem>>, vector<1x16xf32>,
      %broadcast_in_dim3A_109 = arith.constant 0.000000e+00 : f32
      %broadcast_in_dim3A_110 = vector.broadcast %broadcast_in_dim3A_109 : f32 to vector<16xf32>
      %swap3A_111 = arith.index_cast %scan3A_82 : i32 to index
      %swap3A_112 = arith.constant 64 : index
      %swap3A_113 = tpu.vector_load %arg9[%swap3A_111, %swap3A_112] {strides = array<i32>} : memref<128x128xf32, #tpu.memory_space<vmem>>, vector<1x16xf32>,
      %swap3A_114 = vector.shape_cast %swap3A_113 : vector<1x16xf32> to vector<16xf32>
      %swap3A_115 = vector.shape_cast %broadcast_in_dim3A_110 : vector<16xf32> to vector<1x16xf32>
      tpu.vector_store %arg9[%swap3A_111, %swap3A_112], %swap3A_115 {strides = array<i32>} : memref<128x128xf32, #tpu.memory_space<vmem>>, vector<1x16xf32>,
      %broadcast_in_dim3A_116 = arith.constant 0.000000e+00 : f32
      %broadcast_in_dim3A_117 = vector.broadcast %broadcast_in_dim3A_116 : f32 to vector<16xf32>
      %swap3A_118 = arith.index_cast %scan3A_82 : i32 to index
      %swap3A_119 = arith.constant 80 : index
      %swap3A_120 = tpu.vector_load %arg9[%swap3A_118, %swap3A_119] {strides = array<i32>} : memref<128x128xf32, #tpu.memory_space<vmem>>, vector<1x16xf32>,
      %swap3A_121 = vector.shape_cast %swap3A_120 : vector<1x16xf32> to vector<16xf32>
      %swap3A_122 = vector.shape_cast %broadcast_in_dim3A_117 : vector<16xf32> to vector<1x16xf32>
      tpu.vector_store %arg9[%swap3A_118, %swap3A_119], %swap3A_122 {strides = array<i32>} : memref<128x128xf32, #tpu.memory_space<vmem>>, vector<1x16xf32>,
      %broadcast_in_dim3A_123 = arith.constant 0.000000e+00 : f32
      %broadcast_in_dim3A_124 = vector.broadcast %broadcast_in_dim3A_123 : f32 to vector<16xf32>
      %swap3A_125 = arith.index_cast %scan3A_82 : i32 to index
      %swap3A_126 = arith.constant 96 : index
      %swap3A_127 = tpu.vector_load %arg9[%swap3A_125, %swap3A_126] {strides = array<i32>} : memref<128x128xf32, #tpu.memory_space<vmem>>, vector<1x16xf32>,
      %swap3A_128 = vector.shape_cast %swap3A_127 : vector<1x16xf32> to vector<16xf32>
      %swap3A_129 = vector.shape_cast %broadcast_in_dim3A_124 : vector<16xf32> to vector<1x16xf32>
      tpu.vector_store %arg9[%swap3A_125, %swap3A_126], %swap3A_129 {strides = array<i32>} : memref<128x128xf32, #tpu.memory_space<vmem>>, vector<1x16xf32>,
      %broadcast_in_dim3A_130 = arith.constant 0.000000e+00 : f32
      %broadcast_in_dim3A_131 = vector.broadcast %broadcast_in_dim3A_130 : f32 to vector<16xf32>
      %swap3A_132 = arith.index_cast %scan3A_82 : i32 to index
      %swap3A_133 = arith.constant 112 : index
      %swap3A_134 = tpu.vector_load %arg9[%swap3A_132, %swap3A_133] {strides = array<i32>} : memref<128x128xf32, #tpu.memory_space<vmem>>, vector<1x16xf32>,
      %swap3A_135 = vector.shape_cast %swap3A_134 : vector<1x16xf32> to vector<16xf32>
      %swap3A_136 = vector.shape_cast %broadcast_in_dim3A_131 : vector<16xf32> to vector<1x16xf32>
      tpu.vector_store %arg9[%swap3A_132, %swap3A_133], %swap3A_136 {strides = array<i32>} : memref<128x128xf32, #tpu.memory_space<vmem>>, vector<1x16xf32>,
    }
    %scan3A_5 = arith.constant 128 : i32
    %mul3A_6 = arith.constant 640 : i32
    %mul3A_7 = arith.muli %arg1, %mul3A_6 : i32
    %add3A_8 = arith.constant 0 : i32
    %add3A_9 = arith.addi %mul3A_7, %add3A_8 : i32
    %multiple_of3A = tpu.assume_multiple %add3A_9, 8 : i32
    "tpu.region"() ({
      %run_scoped3A = tpu.sem_alloc : memref<!tpu.dma_semaphore, #tpu.memory_space<semaphore_mem>>
      %dma_start3A = arith.constant 0 : i32
      %dma_start3A_82 = tpu.memref_slice %arg11[%multiple_of3A, %dma_start3A] : memref<10240x128xf32, #tpu.memory_space<vmem_shared>> -> memref<128x128xf32, #tpu.memory_space<vmem_shared>>
      %dma_start3A_83 = arith.constant 0 : i32
      %dma_start3A_84 = tpu.memref_slice %arg11[%multiple_of3A, %dma_start3A_83] : memref<10240x128xf32, #tpu.memory_space<vmem_shared>> -> memref<128x128xf32, #tpu.memory_space<vmem_shared>>
      tpu.enqueue_dma source(%arg9 : memref<128x128xf32, #tpu.memory_space<vmem>>) target(%dma_start3A_84 : memref<128x128xf32, #tpu.memory_space<vmem_shared>>) target_semaphore(%run_scoped3A : memref<!tpu.dma_semaphore, #tpu.memory_space<semaphore_mem>>)
      %dma_wait3A = arith.constant 0 : i32
      %dma_wait3A_85 = tpu.memref_slice %arg11[%multiple_of3A, %dma_wait3A] : memref<10240x128xf32, #tpu.memory_space<vmem_shared>> -> memref<128x128xf32, #tpu.memory_space<vmem_shared>>
      %dma_wait3A_86 = arith.constant 0 : i32
      %dma_wait3A_87 = tpu.memref_slice %arg11[%multiple_of3A, %dma_wait3A_86] : memref<10240x128xf32, #tpu.memory_space<vmem_shared>> -> memref<128x128xf32, #tpu.memory_space<vmem_shared>>
      tpu.wait_dma2 semaphore(%run_scoped3A : memref<!tpu.dma_semaphore, #tpu.memory_space<semaphore_mem>>) src(%arg9 : memref<128x128xf32, #tpu.memory_space<vmem>>) dst(%dma_wait3A_87 : memref<128x128xf32, #tpu.memory_space<vmem_shared>>)
      tpu.yield
    }) : () -> ()
    %mul3A_10 = arith.constant 640 : i32
    %mul3A_11 = arith.muli %arg1, %mul3A_10 : i32
    %add3A_12 = arith.constant 128 : i32
    %add3A_13 = arith.addi %mul3A_11, %add3A_12 : i32
    %multiple_of3A_14 = tpu.assume_multiple %add3A_13, 8 : i32
    "tpu.region"() ({
      %run_scoped3A = tpu.sem_alloc : memref<!tpu.dma_semaphore, #tpu.memory_space<semaphore_mem>>
      %dma_start3A = arith.constant 0 : i32
      %dma_start3A_82 = tpu.memref_slice %arg11[%multiple_of3A_14, %dma_start3A] : memref<10240x128xf32, #tpu.memory_space<vmem_shared>> -> memref<128x128xf32, #tpu.memory_space<vmem_shared>>
      %dma_start3A_83 = arith.constant 0 : i32
      %dma_start3A_84 = tpu.memref_slice %arg11[%multiple_of3A_14, %dma_start3A_83] : memref<10240x128xf32, #tpu.memory_space<vmem_shared>> -> memref<128x128xf32, #tpu.memory_space<vmem_shared>>
      tpu.enqueue_dma source(%arg9 : memref<128x128xf32, #tpu.memory_space<vmem>>) target(%dma_start3A_84 : memref<128x128xf32, #tpu.memory_space<vmem_shared>>) target_semaphore(%run_scoped3A : memref<!tpu.dma_semaphore, #tpu.memory_space<semaphore_mem>>)
      %dma_wait3A = arith.constant 0 : i32
      %dma_wait3A_85 = tpu.memref_slice %arg11[%multiple_of3A_14, %dma_wait3A] : memref<10240x128xf32, #tpu.memory_space<vmem_shared>> -> memref<128x128xf32, #tpu.memory_space<vmem_shared>>
      %dma_wait3A_86 = arith.constant 0 : i32
      %dma_wait3A_87 = tpu.memref_slice %arg11[%multiple_of3A_14, %dma_wait3A_86] : memref<10240x128xf32, #tpu.memory_space<vmem_shared>> -> memref<128x128xf32, #tpu.memory_space<vmem_shared>>
      tpu.wait_dma2 semaphore(%run_scoped3A : memref<!tpu.dma_semaphore, #tpu.memory_space<semaphore_mem>>) src(%arg9 : memref<128x128xf32, #tpu.memory_space<vmem>>) dst(%dma_wait3A_87 : memref<128x128xf32, #tpu.memory_space<vmem_shared>>)
      tpu.yield
    }) : () -> ()
    %mul3A_15 = arith.constant 640 : i32
    %mul3A_16 = arith.muli %arg1, %mul3A_15 : i32
    %add3A_17 = arith.constant 256 : i32
    %add3A_18 = arith.addi %mul3A_16, %add3A_17 : i32
    %multiple_of3A_19 = tpu.assume_multiple %add3A_18, 8 : i32
    "tpu.region"() ({
      %run_scoped3A = tpu.sem_alloc : memref<!tpu.dma_semaphore, #tpu.memory_space<semaphore_mem>>
      %dma_start3A = arith.constant 0 : i32
      %dma_start3A_82 = tpu.memref_slice %arg11[%multiple_of3A_19, %dma_start3A] : memref<10240x128xf32, #tpu.memory_space<vmem_shared>> -> memref<128x128xf32, #tpu.memory_space<vmem_shared>>
      %dma_start3A_83 = arith.constant 0 : i32
      %dma_start3A_84 = tpu.memref_slice %arg11[%multiple_of3A_19, %dma_start3A_83] : memref<10240x128xf32, #tpu.memory_space<vmem_shared>> -> memref<128x128xf32, #tpu.memory_space<vmem_shared>>
      tpu.enqueue_dma source(%arg9 : memref<128x128xf32, #tpu.memory_space<vmem>>) target(%dma_start3A_84 : memref<128x128xf32, #tpu.memory_space<vmem_shared>>) target_semaphore(%run_scoped3A : memref<!tpu.dma_semaphore, #tpu.memory_space<semaphore_mem>>)
      %dma_wait3A = arith.constant 0 : i32
      %dma_wait3A_85 = tpu.memref_slice %arg11[%multiple_of3A_19, %dma_wait3A] : memref<10240x128xf32, #tpu.memory_space<vmem_shared>> -> memref<128x128xf32, #tpu.memory_space<vmem_shared>>
      %dma_wait3A_86 = arith.constant 0 : i32
      %dma_wait3A_87 = tpu.memref_slice %arg11[%multiple_of3A_19, %dma_wait3A_86] : memref<10240x128xf32, #tpu.memory_space<vmem_shared>> -> memref<128x128xf32, #tpu.memory_space<vmem_shared>>
      tpu.wait_dma2 semaphore(%run_scoped3A : memref<!tpu.dma_semaphore, #tpu.memory_space<semaphore_mem>>) src(%arg9 : memref<128x128xf32, #tpu.memory_space<vmem>>) dst(%dma_wait3A_87 : memref<128x128xf32, #tpu.memory_space<vmem_shared>>)
      tpu.yield
    }) : () -> ()
    %mul3A_20 = arith.constant 640 : i32
    %mul3A_21 = arith.muli %arg1, %mul3A_20 : i32
    %add3A_22 = arith.constant 384 : i32
    %add3A_23 = arith.addi %mul3A_21, %add3A_22 : i32
    %multiple_of3A_24 = tpu.assume_multiple %add3A_23, 8 : i32
    "tpu.region"() ({
      %run_scoped3A = tpu.sem_alloc : memref<!tpu.dma_semaphore, #tpu.memory_space<semaphore_mem>>
      %dma_start3A = arith.constant 0 : i32
      %dma_start3A_82 = tpu.memref_slice %arg11[%multiple_of3A_24, %dma_start3A] : memref<10240x128xf32, #tpu.memory_space<vmem_shared>> -> memref<128x128xf32, #tpu.memory_space<vmem_shared>>
      %dma_start3A_83 = arith.constant 0 : i32
      %dma_start3A_84 = tpu.memref_slice %arg11[%multiple_of3A_24, %dma_start3A_83] : memref<10240x128xf32, #tpu.memory_space<vmem_shared>> -> memref<128x128xf32, #tpu.memory_space<vmem_shared>>
      tpu.enqueue_dma source(%arg9 : memref<128x128xf32, #tpu.memory_space<vmem>>) target(%dma_start3A_84 : memref<128x128xf32, #tpu.memory_space<vmem_shared>>) target_semaphore(%run_scoped3A : memref<!tpu.dma_semaphore, #tpu.memory_space<semaphore_mem>>)
      %dma_wait3A = arith.constant 0 : i32
      %dma_wait3A_85 = tpu.memref_slice %arg11[%multiple_of3A_24, %dma_wait3A] : memref<10240x128xf32, #tpu.memory_space<vmem_shared>> -> memref<128x128xf32, #tpu.memory_space<vmem_shared>>
      %dma_wait3A_86 = arith.constant 0 : i32
      %dma_wait3A_87 = tpu.memref_slice %arg11[%multiple_of3A_24, %dma_wait3A_86] : memref<10240x128xf32, #tpu.memory_space<vmem_shared>> -> memref<128x128xf32, #tpu.memory_space<vmem_shared>>
      tpu.wait_dma2 semaphore(%run_scoped3A : memref<!tpu.dma_semaphore, #tpu.memory_space<semaphore_mem>>) src(%arg9 : memref<128x128xf32, #tpu.memory_space<vmem>>) dst(%dma_wait3A_87 : memref<128x128xf32, #tpu.memory_space<vmem_shared>>)
      tpu.yield
    }) : () -> ()
    %mul3A_25 = arith.constant 640 : i32
    %mul3A_26 = arith.muli %arg1, %mul3A_25 : i32
    %add3A_27 = arith.constant 512 : i32
    %add3A_28 = arith.addi %mul3A_26, %add3A_27 : i32
    %multiple_of3A_29 = tpu.assume_multiple %add3A_28, 8 : i32
    "tpu.region"() ({
      %run_scoped3A = tpu.sem_alloc : memref<!tpu.dma_semaphore, #tpu.memory_space<semaphore_mem>>
      %dma_start3A = arith.constant 0 : i32
      %dma_start3A_82 = tpu.memref_slice %arg11[%multiple_of3A_29, %dma_start3A] : memref<10240x128xf32, #tpu.memory_space<vmem_shared>> -> memref<128x128xf32, #tpu.memory_space<vmem_shared>>
      %dma_start3A_83 = arith.constant 0 : i32
      %dma_start3A_84 = tpu.memref_slice %arg11[%multiple_of3A_29, %dma_start3A_83] : memref<10240x128xf32, #tpu.memory_space<vmem_shared>> -> memref<128x128xf32, #tpu.memory_space<vmem_shared>>
      tpu.enqueue_dma source(%arg9 : memref<128x128xf32, #tpu.memory_space<vmem>>) target(%dma_start3A_84 : memref<128x128xf32, #tpu.memory_space<vmem_shared>>) target_semaphore(%run_scoped3A : memref<!tpu.dma_semaphore, #tpu.memory_space<semaphore_mem>>)
      %dma_wait3A = arith.constant 0 : i32
      %dma_wait3A_85 = tpu.memref_slice %arg11[%multiple_of3A_29, %dma_wait3A] : memref<10240x128xf32, #tpu.memory_space<vmem_shared>> -> memref<128x128xf32, #tpu.memory_space<vmem_shared>>
      %dma_wait3A_86 = arith.constant 0 : i32
      %dma_wait3A_87 = tpu.memref_slice %arg11[%multiple_of3A_29, %dma_wait3A_86] : memref<10240x128xf32, #tpu.memory_space<vmem_shared>> -> memref<128x128xf32, #tpu.memory_space<vmem_shared>>
      tpu.wait_dma2 semaphore(%run_scoped3A : memref<!tpu.dma_semaphore, #tpu.memory_space<semaphore_mem>>) src(%arg9 : memref<128x128xf32, #tpu.memory_space<vmem>>) dst(%dma_wait3A_87 : memref<128x128xf32, #tpu.memory_space<vmem_shared>>)
      tpu.yield
    }) : () -> ()
    %barrier3A = arith.constant 0 : index
    tpu.barrier barrier_id(%barrier3A)
    %scan3A_30 = arith.constant 0 : i32
    %scan3A_31 = arith.constant 0 : i32
    %scan3A_32 = arith.constant 5 : i32
    %scan3A_33 = arith.addi %scan3A_31, %scan3A_32 : i32
    %scan3A_34 = arith.constant 1 : i32
    scf.for %scan3A_82 = %scan3A_31 to %scan3A_33 step %scan3A_34  : i32 {
      %mul3A_83 = arith.constant 40 : i32
      %mul3A_84 = arith.muli %add3A, %mul3A_83 : i32
      %mul3A_85 = arith.constant 8 : i32
      %mul3A_86 = arith.muli %scan3A_82, %mul3A_85 : i32
      %add3A_87 = arith.addi %mul3A_84, %mul3A_86 : i32
      %multiple_of3A_88 = tpu.assume_multiple %add3A_87, 8 : i32
      "tpu.region"() ({
        %run_scoped3A = tpu.sem_alloc : memref<!tpu.dma_semaphore, #tpu.memory_space<semaphore_mem>>
        %dma_start3A = arith.constant 0 : i32
        %dma_start3A_95 = tpu.memref_slice %arg3[%multiple_of3A_88, %dma_start3A] : memref<1280x128xi32, #tpu.memory_space<hbm>> -> memref<8x128xi32, #tpu.memory_space<hbm>>
        %dma_start3A_96 = arith.constant 0 : i32
        %dma_start3A_97 = tpu.memref_slice %arg3[%multiple_of3A_88, %dma_start3A_96] : memref<1280x128xi32, #tpu.memory_space<hbm>> -> memref<8x128xi32, #tpu.memory_space<hbm>>
        tpu.enqueue_dma source(%dma_start3A_97 : memref<8x128xi32, #tpu.memory_space<hbm>>) target(%arg7 : memref<8x128xi32, #tpu.memory_space<vmem>>) target_semaphore(%run_scoped3A : memref<!tpu.dma_semaphore, #tpu.memory_space<semaphore_mem>>)
        %dma_wait3A = arith.constant 0 : i32
        %dma_wait3A_98 = tpu.memref_slice %arg3[%multiple_of3A_88, %dma_wait3A] : memref<1280x128xi32, #tpu.memory_space<hbm>> -> memref<8x128xi32, #tpu.memory_space<hbm>>
        %dma_wait3A_99 = arith.constant 0 : i32
        %dma_wait3A_100 = tpu.memref_slice %arg3[%multiple_of3A_88, %dma_wait3A_99] : memref<1280x128xi32, #tpu.memory_space<hbm>> -> memref<8x128xi32, #tpu.memory_space<hbm>>
        tpu.wait_dma2 semaphore(%run_scoped3A : memref<!tpu.dma_semaphore, #tpu.memory_space<semaphore_mem>>) src(%dma_wait3A_100 : memref<8x128xi32, #tpu.memory_space<hbm>>) dst(%arg7 : memref<8x128xi32, #tpu.memory_space<vmem>>)
        tpu.yield
      }) : () -> ()
      "tpu.region"() ({
        %run_scoped3A = tpu.sem_alloc : memref<!tpu.dma_semaphore, #tpu.memory_space<semaphore_mem>>
        %dma_start3A = arith.constant 0 : i32
        %dma_start3A_95 = tpu.memref_slice %arg4[%multiple_of3A_88, %dma_start3A] : memref<1280x128xi32, #tpu.memory_space<hbm>> -> memref<8x128xi32, #tpu.memory_space<hbm>>
        %dma_start3A_96 = arith.constant 0 : i32
        %dma_start3A_97 = tpu.memref_slice %arg4[%multiple_of3A_88, %dma_start3A_96] : memref<1280x128xi32, #tpu.memory_space<hbm>> -> memref<8x128xi32, #tpu.memory_space<hbm>>
        tpu.enqueue_dma source(%dma_start3A_97 : memref<8x128xi32, #tpu.memory_space<hbm>>) target(%arg8 : memref<8x128xi32, #tpu.memory_space<vmem>>) target_semaphore(%run_scoped3A : memref<!tpu.dma_semaphore, #tpu.memory_space<semaphore_mem>>)
        %dma_wait3A = arith.constant 0 : i32
        %dma_wait3A_98 = tpu.memref_slice %arg4[%multiple_of3A_88, %dma_wait3A] : memref<1280x128xi32, #tpu.memory_space<hbm>> -> memref<8x128xi32, #tpu.memory_space<hbm>>
        %dma_wait3A_99 = arith.constant 0 : i32
        %dma_wait3A_100 = tpu.memref_slice %arg4[%multiple_of3A_88, %dma_wait3A_99] : memref<1280x128xi32, #tpu.memory_space<hbm>> -> memref<8x128xi32, #tpu.memory_space<hbm>>
        tpu.wait_dma2 semaphore(%run_scoped3A : memref<!tpu.dma_semaphore, #tpu.memory_space<semaphore_mem>>) src(%dma_wait3A_100 : memref<8x128xi32, #tpu.memory_space<hbm>>) dst(%arg8 : memref<8x128xi32, #tpu.memory_space<vmem>>)
        tpu.yield
      }) : () -> ()
      %scan3A_89 = arith.constant 0 : i32
      %scan3A_90 = arith.constant 0 : i32
      %scan3A_91 = arith.constant 8 : i32
      %scan3A_92 = arith.addi %scan3A_90, %scan3A_91 : i32
      %scan3A_93 = arith.constant 1 : i32
      scf.for %scan3A_95 = %scan3A_90 to %scan3A_92 step %scan3A_93  : i32 {
        %mul3A_96 = arith.constant 40 : i32
        %mul3A_97 = arith.muli %add3A, %mul3A_96 : i32
        %mul3A_98 = arith.constant 8 : i32
        %mul3A_99 = arith.muli %scan3A_82, %mul3A_98 : i32
        %add3A_100 = arith.addi %mul3A_97, %mul3A_99 : i32
        %add3A_101 = arith.addi %add3A_100, %scan3A_95 : i32
        %mul3A_102 = arith.constant 128 : i32
        %mul3A_103 = arith.muli %add3A_101, %mul3A_102 : i32
        %multiple_of3A_104 = tpu.assume_multiple %mul3A_103, 8 : i32
        "tpu.region"() ({
          %run_scoped3A = tpu.sem_alloc : memref<!tpu.dma_semaphore, #tpu.memory_space<semaphore_mem>>
          %dma_start3A_121 = arith.constant 0 : i32
          %dma_start3A_122 = tpu.memref_slice %arg5[%multiple_of3A_104, %dma_start3A_121] : memref<163840x128xf32, #tpu.memory_space<hbm>> -> memref<128x128xf32, #tpu.memory_space<hbm>>
          %dma_start3A_123 = arith.constant 0 : i32
          %dma_start3A_124 = tpu.memref_slice %arg5[%multiple_of3A_104, %dma_start3A_123] : memref<163840x128xf32, #tpu.memory_space<hbm>> -> memref<128x128xf32, #tpu.memory_space<hbm>>
          tpu.enqueue_dma source(%dma_start3A_124 : memref<128x128xf32, #tpu.memory_space<hbm>>) target(%arg10 : memref<128x128xf32, #tpu.memory_space<vmem>>) target_semaphore(%run_scoped3A : memref<!tpu.dma_semaphore, #tpu.memory_space<semaphore_mem>>)
          %dma_wait3A_125 = arith.constant 0 : i32
          %dma_wait3A_126 = tpu.memref_slice %arg5[%multiple_of3A_104, %dma_wait3A_125] : memref<163840x128xf32, #tpu.memory_space<hbm>> -> memref<128x128xf32, #tpu.memory_space<hbm>>
          %dma_wait3A_127 = arith.constant 0 : i32
          %dma_wait3A_128 = tpu.memref_slice %arg5[%multiple_of3A_104, %dma_wait3A_127] : memref<163840x128xf32, #tpu.memory_space<hbm>> -> memref<128x128xf32, #tpu.memory_space<hbm>>
          tpu.wait_dma2 semaphore(%run_scoped3A : memref<!tpu.dma_semaphore, #tpu.memory_space<semaphore_mem>>) src(%dma_wait3A_128 : memref<128x128xf32, #tpu.memory_space<hbm>>) dst(%arg10 : memref<128x128xf32, #tpu.memory_space<vmem>>)
          tpu.yield
        }) : () -> ()
        %dma_start3A = arith.constant 0 : i32
        %dma_start3A_105 = tpu.memref_slice %arg7[%scan3A_95, %dma_start3A] : memref<8x128xi32, #tpu.memory_space<vmem>> -> memref<1x128xi32, #tpu.memory_space<vmem>>
        %dma_start3A_106 = tpu.memref_squeeze %dma_start3A_105 : memref<1x128xi32, #tpu.memory_space<vmem>> -> memref<128xi32, #tpu.memory_space<vmem>>
        %dma_start3A_107 = arith.constant 0 : i32
        %dma_start3A_108 = arith.constant 0 : i32
        %dma_start3A_109 = tpu.memref_slice %arg2[%dma_start3A_107, %dma_start3A_108] : memref<10000x128xf32, #tpu.memory_space<hbm>> -> memref<10000x128xf32, #tpu.memory_space<hbm>>
        tpu.enqueue_indirect_dma source(%dma_start3A_109 : memref<10000x128xf32, #tpu.memory_space<hbm>>) target(%arg9 : memref<128x128xf32, #tpu.memory_space<vmem>>) offsets(%dma_start3A_106 : memref<128xi32, #tpu.memory_space<vmem>>) semaphore(%arg12 : memref<!tpu.dma_semaphore, #tpu.memory_space<semaphore_mem>>)
        %dma_wait3A = arith.constant 0 : i32
        %dma_wait3A_110 = tpu.memref_slice %arg7[%scan3A_95, %dma_wait3A] : memref<8x128xi32, #tpu.memory_space<vmem>> -> memref<1x128xi32, #tpu.memory_space<vmem>>
        %dma_wait3A_111 = tpu.memref_squeeze %dma_wait3A_110 : memref<1x128xi32, #tpu.memory_space<vmem>> -> memref<128xi32, #tpu.memory_space<vmem>>
        %dma_wait3A_112 = arith.constant 0 : i32
        %dma_wait3A_113 = arith.constant 0 : i32
        %dma_wait3A_114 = tpu.memref_slice %arg2[%dma_wait3A_112, %dma_wait3A_113] : memref<10000x128xf32, #tpu.memory_space<hbm>> -> memref<10000x128xf32, #tpu.memory_space<hbm>>
        tpu.wait_indirect_dma semaphore(%arg12 : memref<!tpu.dma_semaphore, #tpu.memory_space<semaphore_mem>>) src(%dma_wait3A_114 : memref<10000x128xf32, #tpu.memory_space<hbm>>) dst(%arg9 : memref<128x128xf32, #tpu.memory_space<vmem>>)
        %scan3A_115 = arith.constant 0 : i32
        %scan3A_116 = arith.constant 0 : i32
        %scan3A_117 = arith.constant 128 : i32
        %scan3A_118 = arith.addi %scan3A_116, %scan3A_117 : i32
        %scan3A_119 = arith.constant 1 : i32
        scf.for %scan3A_121 = %scan3A_116 to %scan3A_118 step %scan3A_119  : i32 {
          %get3A = arith.index_cast %scan3A_121 : i32 to index
          %get3A_122 = arith.constant 0 : index
          %get3A_123 = tpu.vector_load %arg9[%get3A, %get3A_122] {strides = array<i32>} : memref<128x128xf32, #tpu.memory_space<vmem>>, vector<1x16xf32>,
          %get3A_124 = vector.shape_cast %get3A_123 : vector<1x16xf32> to vector<16xf32>
          %get3A_125 = arith.index_cast %scan3A_121 : i32 to index
          %get3A_126 = arith.constant 0 : index
          %get3A_127 = tpu.vector_load %arg10[%get3A_125, %get3A_126] {strides = array<i32>} : memref<128x128xf32, #tpu.memory_space<vmem>>, vector<1x16xf32>,
          %get3A_128 = vector.shape_cast %get3A_127 : vector<1x16xf32> to vector<16xf32>
          %add3A_129 = arith.addf %get3A_124, %get3A_128 : vector<16xf32>
          %max3A = arith.constant 0.000000e+00 : f32
          %max3A_130 = vector.broadcast %max3A : f32 to vector<16xf32>
          %max3A_131 = arith.maximumf %add3A_129, %max3A_130 : vector<16xf32>
          %swap3A = arith.index_cast %scan3A_121 : i32 to index
          %swap3A_132 = arith.constant 0 : index
          %swap3A_133 = tpu.vector_load %arg9[%swap3A, %swap3A_132] {strides = array<i32>} : memref<128x128xf32, #tpu.memory_space<vmem>>, vector<1x16xf32>,
          %swap3A_134 = vector.shape_cast %swap3A_133 : vector<1x16xf32> to vector<16xf32>
          %swap3A_135 = vector.shape_cast %max3A_131 : vector<16xf32> to vector<1x16xf32>
          tpu.vector_store %arg9[%swap3A, %swap3A_132], %swap3A_135 {strides = array<i32>} : memref<128x128xf32, #tpu.memory_space<vmem>>, vector<1x16xf32>,
          %get3A_136 = arith.index_cast %scan3A_121 : i32 to index
          %get3A_137 = arith.constant 16 : index
          %get3A_138 = tpu.vector_load %arg9[%get3A_136, %get3A_137] {strides = array<i32>} : memref<128x128xf32, #tpu.memory_space<vmem>>, vector<1x16xf32>,
          %get3A_139 = vector.shape_cast %get3A_138 : vector<1x16xf32> to vector<16xf32>
          %get3A_140 = arith.index_cast %scan3A_121 : i32 to index
          %get3A_141 = arith.constant 16 : index
          %get3A_142 = tpu.vector_load %arg10[%get3A_140, %get3A_141] {strides = array<i32>} : memref<128x128xf32, #tpu.memory_space<vmem>>, vector<1x16xf32>,
          %get3A_143 = vector.shape_cast %get3A_142 : vector<1x16xf32> to vector<16xf32>
          %add3A_144 = arith.addf %get3A_139, %get3A_143 : vector<16xf32>
          %max3A_145 = arith.constant 0.000000e+00 : f32
          %max3A_146 = vector.broadcast %max3A_145 : f32 to vector<16xf32>
          %max3A_147 = arith.maximumf %add3A_144, %max3A_146 : vector<16xf32>
          %swap3A_148 = arith.index_cast %scan3A_121 : i32 to index
          %swap3A_149 = arith.constant 16 : index
          %swap3A_150 = tpu.vector_load %arg9[%swap3A_148, %swap3A_149] {strides = array<i32>} : memref<128x128xf32, #tpu.memory_space<vmem>>, vector<1x16xf32>,
          %swap3A_151 = vector.shape_cast %swap3A_150 : vector<1x16xf32> to vector<16xf32>
          %swap3A_152 = vector.shape_cast %max3A_147 : vector<16xf32> to vector<1x16xf32>
          tpu.vector_store %arg9[%swap3A_148, %swap3A_149], %swap3A_152 {strides = array<i32>} : memref<128x128xf32, #tpu.memory_space<vmem>>, vector<1x16xf32>,
          %get3A_153 = arith.index_cast %scan3A_121 : i32 to index
          %get3A_154 = arith.constant 32 : index
          %get3A_155 = tpu.vector_load %arg9[%get3A_153, %get3A_154] {strides = array<i32>} : memref<128x128xf32, #tpu.memory_space<vmem>>, vector<1x16xf32>,
          %get3A_156 = vector.shape_cast %get3A_155 : vector<1x16xf32> to vector<16xf32>
          %get3A_157 = arith.index_cast %scan3A_121 : i32 to index
          %get3A_158 = arith.constant 32 : index
          %get3A_159 = tpu.vector_load %arg10[%get3A_157, %get3A_158] {strides = array<i32>} : memref<128x128xf32, #tpu.memory_space<vmem>>, vector<1x16xf32>,
          %get3A_160 = vector.shape_cast %get3A_159 : vector<1x16xf32> to vector<16xf32>
          %add3A_161 = arith.addf %get3A_156, %get3A_160 : vector<16xf32>
          %max3A_162 = arith.constant 0.000000e+00 : f32
          %max3A_163 = vector.broadcast %max3A_162 : f32 to vector<16xf32>
          %max3A_164 = arith.maximumf %add3A_161, %max3A_163 : vector<16xf32>
          %swap3A_165 = arith.index_cast %scan3A_121 : i32 to index
          %swap3A_166 = arith.constant 32 : index
          %swap3A_167 = tpu.vector_load %arg9[%swap3A_165, %swap3A_166] {strides = array<i32>} : memref<128x128xf32, #tpu.memory_space<vmem>>, vector<1x16xf32>,
          %swap3A_168 = vector.shape_cast %swap3A_167 : vector<1x16xf32> to vector<16xf32>
          %swap3A_169 = vector.shape_cast %max3A_164 : vector<16xf32> to vector<1x16xf32>
          tpu.vector_store %arg9[%swap3A_165, %swap3A_166], %swap3A_169 {strides = array<i32>} : memref<128x128xf32, #tpu.memory_space<vmem>>, vector<1x16xf32>,
          %get3A_170 = arith.index_cast %scan3A_121 : i32 to index
          %get3A_171 = arith.constant 48 : index
          %get3A_172 = tpu.vector_load %arg9[%get3A_170, %get3A_171] {strides = array<i32>} : memref<128x128xf32, #tpu.memory_space<vmem>>, vector<1x16xf32>,
          %get3A_173 = vector.shape_cast %get3A_172 : vector<1x16xf32> to vector<16xf32>
          %get3A_174 = arith.index_cast %scan3A_121 : i32 to index
          %get3A_175 = arith.constant 48 : index
          %get3A_176 = tpu.vector_load %arg10[%get3A_174, %get3A_175] {strides = array<i32>} : memref<128x128xf32, #tpu.memory_space<vmem>>, vector<1x16xf32>,
          %get3A_177 = vector.shape_cast %get3A_176 : vector<1x16xf32> to vector<16xf32>
          %add3A_178 = arith.addf %get3A_173, %get3A_177 : vector<16xf32>
          %max3A_179 = arith.constant 0.000000e+00 : f32
          %max3A_180 = vector.broadcast %max3A_179 : f32 to vector<16xf32>
          %max3A_181 = arith.maximumf %add3A_178, %max3A_180 : vector<16xf32>
          %swap3A_182 = arith.index_cast %scan3A_121 : i32 to index
          %swap3A_183 = arith.constant 48 : index
          %swap3A_184 = tpu.vector_load %arg9[%swap3A_182, %swap3A_183] {strides = array<i32>} : memref<128x128xf32, #tpu.memory_space<vmem>>, vector<1x16xf32>,
          %swap3A_185 = vector.shape_cast %swap3A_184 : vector<1x16xf32> to vector<16xf32>
          %swap3A_186 = vector.shape_cast %max3A_181 : vector<16xf32> to vector<1x16xf32>
          tpu.vector_store %arg9[%swap3A_182, %swap3A_183], %swap3A_186 {strides = array<i32>} : memref<128x128xf32, #tpu.memory_space<vmem>>, vector<1x16xf32>,
          %get3A_187 = arith.index_cast %scan3A_121 : i32 to index
          %get3A_188 = arith.constant 64 : index
          %get3A_189 = tpu.vector_load %arg9[%get3A_187, %get3A_188] {strides = array<i32>} : memref<128x128xf32, #tpu.memory_space<vmem>>, vector<1x16xf32>,
          %get3A_190 = vector.shape_cast %get3A_189 : vector<1x16xf32> to vector<16xf32>
          %get3A_191 = arith.index_cast %scan3A_121 : i32 to index
          %get3A_192 = arith.constant 64 : index
          %get3A_193 = tpu.vector_load %arg10[%get3A_191, %get3A_192] {strides = array<i32>} : memref<128x128xf32, #tpu.memory_space<vmem>>, vector<1x16xf32>,
          %get3A_194 = vector.shape_cast %get3A_193 : vector<1x16xf32> to vector<16xf32>
          %add3A_195 = arith.addf %get3A_190, %get3A_194 : vector<16xf32>
          %max3A_196 = arith.constant 0.000000e+00 : f32
          %max3A_197 = vector.broadcast %max3A_196 : f32 to vector<16xf32>
          %max3A_198 = arith.maximumf %add3A_195, %max3A_197 : vector<16xf32>
          %swap3A_199 = arith.index_cast %scan3A_121 : i32 to index
          %swap3A_200 = arith.constant 64 : index
          %swap3A_201 = tpu.vector_load %arg9[%swap3A_199, %swap3A_200] {strides = array<i32>} : memref<128x128xf32, #tpu.memory_space<vmem>>, vector<1x16xf32>,
          %swap3A_202 = vector.shape_cast %swap3A_201 : vector<1x16xf32> to vector<16xf32>
          %swap3A_203 = vector.shape_cast %max3A_198 : vector<16xf32> to vector<1x16xf32>
          tpu.vector_store %arg9[%swap3A_199, %swap3A_200], %swap3A_203 {strides = array<i32>} : memref<128x128xf32, #tpu.memory_space<vmem>>, vector<1x16xf32>,
          %get3A_204 = arith.index_cast %scan3A_121 : i32 to index
          %get3A_205 = arith.constant 80 : index
          %get3A_206 = tpu.vector_load %arg9[%get3A_204, %get3A_205] {strides = array<i32>} : memref<128x128xf32, #tpu.memory_space<vmem>>, vector<1x16xf32>,
          %get3A_207 = vector.shape_cast %get3A_206 : vector<1x16xf32> to vector<16xf32>
          %get3A_208 = arith.index_cast %scan3A_121 : i32 to index
          %get3A_209 = arith.constant 80 : index
          %get3A_210 = tpu.vector_load %arg10[%get3A_208, %get3A_209] {strides = array<i32>} : memref<128x128xf32, #tpu.memory_space<vmem>>, vector<1x16xf32>,
          %get3A_211 = vector.shape_cast %get3A_210 : vector<1x16xf32> to vector<16xf32>
          %add3A_212 = arith.addf %get3A_207, %get3A_211 : vector<16xf32>
          %max3A_213 = arith.constant 0.000000e+00 : f32
          %max3A_214 = vector.broadcast %max3A_213 : f32 to vector<16xf32>
          %max3A_215 = arith.maximumf %add3A_212, %max3A_214 : vector<16xf32>
          %swap3A_216 = arith.index_cast %scan3A_121 : i32 to index
          %swap3A_217 = arith.constant 80 : index
          %swap3A_218 = tpu.vector_load %arg9[%swap3A_216, %swap3A_217] {strides = array<i32>} : memref<128x128xf32, #tpu.memory_space<vmem>>, vector<1x16xf32>,
          %swap3A_219 = vector.shape_cast %swap3A_218 : vector<1x16xf32> to vector<16xf32>
          %swap3A_220 = vector.shape_cast %max3A_215 : vector<16xf32> to vector<1x16xf32>
          tpu.vector_store %arg9[%swap3A_216, %swap3A_217], %swap3A_220 {strides = array<i32>} : memref<128x128xf32, #tpu.memory_space<vmem>>, vector<1x16xf32>,
          %get3A_221 = arith.index_cast %scan3A_121 : i32 to index
          %get3A_222 = arith.constant 96 : index
          %get3A_223 = tpu.vector_load %arg9[%get3A_221, %get3A_222] {strides = array<i32>} : memref<128x128xf32, #tpu.memory_space<vmem>>, vector<1x16xf32>,
          %get3A_224 = vector.shape_cast %get3A_223 : vector<1x16xf32> to vector<16xf32>
          %get3A_225 = arith.index_cast %scan3A_121 : i32 to index
          %get3A_226 = arith.constant 96 : index
          %get3A_227 = tpu.vector_load %arg10[%get3A_225, %get3A_226] {strides = array<i32>} : memref<128x128xf32, #tpu.memory_space<vmem>>, vector<1x16xf32>,
          %get3A_228 = vector.shape_cast %get3A_227 : vector<1x16xf32> to vector<16xf32>
          %add3A_229 = arith.addf %get3A_224, %get3A_228 : vector<16xf32>
          %max3A_230 = arith.constant 0.000000e+00 : f32
          %max3A_231 = vector.broadcast %max3A_230 : f32 to vector<16xf32>
          %max3A_232 = arith.maximumf %add3A_229, %max3A_231 : vector<16xf32>
          %swap3A_233 = arith.index_cast %scan3A_121 : i32 to index
          %swap3A_234 = arith.constant 96 : index
          %swap3A_235 = tpu.vector_load %arg9[%swap3A_233, %swap3A_234] {strides = array<i32>} : memref<128x128xf32, #tpu.memory_space<vmem>>, vector<1x16xf32>,
          %swap3A_236 = vector.shape_cast %swap3A_235 : vector<1x16xf32> to vector<16xf32>
          %swap3A_237 = vector.shape_cast %max3A_232 : vector<16xf32> to vector<1x16xf32>
          tpu.vector_store %arg9[%swap3A_233, %swap3A_234], %swap3A_237 {strides = array<i32>} : memref<128x128xf32, #tpu.memory_space<vmem>>, vector<1x16xf32>,
          %get3A_238 = arith.index_cast %scan3A_121 : i32 to index
          %get3A_239 = arith.constant 112 : index
          %get3A_240 = tpu.vector_load %arg9[%get3A_238, %get3A_239] {strides = array<i32>} : memref<128x128xf32, #tpu.memory_space<vmem>>, vector<1x16xf32>,
          %get3A_241 = vector.shape_cast %get3A_240 : vector<1x16xf32> to vector<16xf32>
          %get3A_242 = arith.index_cast %scan3A_121 : i32 to index
          %get3A_243 = arith.constant 112 : index
          %get3A_244 = tpu.vector_load %arg10[%get3A_242, %get3A_243] {strides = array<i32>} : memref<128x128xf32, #tpu.memory_space<vmem>>, vector<1x16xf32>,
          %get3A_245 = vector.shape_cast %get3A_244 : vector<1x16xf32> to vector<16xf32>
          %add3A_246 = arith.addf %get3A_241, %get3A_245 : vector<16xf32>
          %max3A_247 = arith.constant 0.000000e+00 : f32
          %max3A_248 = vector.broadcast %max3A_247 : f32 to vector<16xf32>
          %max3A_249 = arith.maximumf %add3A_246, %max3A_248 : vector<16xf32>
          %swap3A_250 = arith.index_cast %scan3A_121 : i32 to index
          %swap3A_251 = arith.constant 112 : index
          %swap3A_252 = tpu.vector_load %arg9[%swap3A_250, %swap3A_251] {strides = array<i32>} : memref<128x128xf32, #tpu.memory_space<vmem>>, vector<1x16xf32>,
          %swap3A_253 = vector.shape_cast %swap3A_252 : vector<1x16xf32> to vector<16xf32>
          %swap3A_254 = vector.shape_cast %max3A_249 : vector<16xf32> to vector<1x16xf32>
          tpu.vector_store %arg9[%swap3A_250, %swap3A_251], %swap3A_254 {strides = array<i32>} : memref<128x128xf32, #tpu.memory_space<vmem>>, vector<1x16xf32>,
        }
        %scan3A_120 = arith.constant 128 : i32
        "tpu.region"() ({
          %run_scoped3A = tpu.sem_alloc : memref<!tpu.dma_semaphore, #tpu.memory_space<semaphore_mem>>
          %dma_start3A_121 = arith.constant 0 : i32
          %dma_start3A_122 = tpu.memref_slice %arg8[%scan3A_95, %dma_start3A_121] : memref<8x128xi32, #tpu.memory_space<vmem>> -> memref<1x128xi32, #tpu.memory_space<vmem>>
          %dma_start3A_123 = tpu.memref_squeeze %dma_start3A_122 : memref<1x128xi32, #tpu.memory_space<vmem>> -> memref<128xi32, #tpu.memory_space<vmem>>
          %dma_start3A_124 = arith.constant 0 : i32
          %dma_start3A_125 = arith.constant 0 : i32
          %dma_start3A_126 = tpu.memref_slice %arg11[%dma_start3A_124, %dma_start3A_125] : memref<10240x128xf32, #tpu.memory_space<vmem_shared>> -> memref<10240x128xf32, #tpu.memory_space<vmem_shared>>
          tpu.enqueue_indirect_dma source(%arg9 : memref<128x128xf32, #tpu.memory_space<vmem>>) target(%dma_start3A_126 : memref<10240x128xf32, #tpu.memory_space<vmem_shared>>) offsets(%dma_start3A_123 : memref<128xi32, #tpu.memory_space<vmem>>) semaphore(%run_scoped3A : memref<!tpu.dma_semaphore, #tpu.memory_space<semaphore_mem>>) {add = true}
          %dma_wait3A_127 = arith.constant 0 : i32
          %dma_wait3A_128 = tpu.memref_slice %arg8[%scan3A_95, %dma_wait3A_127] : memref<8x128xi32, #tpu.memory_space<vmem>> -> memref<1x128xi32, #tpu.memory_space<vmem>>
          %dma_wait3A_129 = tpu.memref_squeeze %dma_wait3A_128 : memref<1x128xi32, #tpu.memory_space<vmem>> -> memref<128xi32, #tpu.memory_space<vmem>>
          %dma_wait3A_130 = arith.constant 0 : i32
          %dma_wait3A_131 = arith.constant 0 : i32
          %dma_wait3A_132 = tpu.memref_slice %arg11[%dma_wait3A_130, %dma_wait3A_131] : memref<10240x128xf32, #tpu.memory_space<vmem_shared>> -> memref<10240x128xf32, #tpu.memory_space<vmem_shared>>
          tpu.wait_indirect_dma semaphore(%run_scoped3A : memref<!tpu.dma_semaphore, #tpu.memory_space<semaphore_mem>>) src(%arg9 : memref<128x128xf32, #tpu.memory_space<vmem>>) dst(%dma_wait3A_132 : memref<10240x128xf32, #tpu.memory_space<vmem_shared>>)
          tpu.yield
        }) : () -> ()
      }
      %scan3A_94 = arith.constant 8 : i32
    }
    %scan3A_35 = arith.constant 5 : i32
    %barrier3A_36 = arith.constant 0 : index
    tpu.barrier barrier_id(%barrier3A_36)
    %mul3A_37 = arith.constant 640 : i32
    %mul3A_38 = arith.muli %arg1, %mul3A_37 : i32
    %add3A_39 = arith.constant 0 : i32
    %add3A_40 = arith.addi %mul3A_38, %add3A_39 : i32
    %multiple_of3A_41 = tpu.assume_multiple %add3A_40, 8 : i32
    %mul3A_42 = arith.constant 10240 : i32
    %mul3A_43 = arith.muli %arg0, %mul3A_42 : i32
    %multiple_of3A_44 = tpu.assume_multiple %mul3A_43, 8 : i32
    %add3A_45 = arith.addi %multiple_of3A_44, %multiple_of3A_41 : i32
    "tpu.region"() ({
      %run_scoped3A = tpu.sem_alloc : memref<!tpu.dma_semaphore, #tpu.memory_space<semaphore_mem>>
      %dma_start3A = arith.constant 0 : i32
      %dma_start3A_82 = tpu.memref_slice %arg6[%add3A_45, %dma_start3A] : memref<20480x128xf32, #tpu.memory_space<hbm>> -> memref<128x128xf32, #tpu.memory_space<hbm>>
      %dma_start3A_83 = arith.constant 0 : i32
      %dma_start3A_84 = tpu.memref_slice %arg11[%multiple_of3A_41, %dma_start3A_83] : memref<10240x128xf32, #tpu.memory_space<vmem_shared>> -> memref<128x128xf32, #tpu.memory_space<vmem_shared>>
      tpu.enqueue_dma source(%dma_start3A_84 : memref<128x128xf32, #tpu.memory_space<vmem_shared>>) target(%dma_start3A_82 : memref<128x128xf32, #tpu.memory_space<hbm>>) target_semaphore(%run_scoped3A : memref<!tpu.dma_semaphore, #tpu.memory_space<semaphore_mem>>)
      %dma_wait3A = arith.constant 0 : i32
      %dma_wait3A_85 = tpu.memref_slice %arg6[%add3A_45, %dma_wait3A] : memref<20480x128xf32, #tpu.memory_space<hbm>> -> memref<128x128xf32, #tpu.memory_space<hbm>>
      %dma_wait3A_86 = arith.constant 0 : i32
      %dma_wait3A_87 = tpu.memref_slice %arg11[%multiple_of3A_41, %dma_wait3A_86] : memref<10240x128xf32, #tpu.memory_space<vmem_shared>> -> memref<128x128xf32, #tpu.memory_space<vmem_shared>>
      tpu.wait_dma2 semaphore(%run_scoped3A : memref<!tpu.dma_semaphore, #tpu.memory_space<semaphore_mem>>) src(%dma_wait3A_87 : memref<128x128xf32, #tpu.memory_space<vmem_shared>>) dst(%dma_wait3A_85 : memref<128x128xf32, #tpu.memory_space<hbm>>)
      tpu.yield
    }) : () -> ()
    %mul3A_46 = arith.constant 640 : i32
    %mul3A_47 = arith.muli %arg1, %mul3A_46 : i32
    %add3A_48 = arith.constant 128 : i32
    %add3A_49 = arith.addi %mul3A_47, %add3A_48 : i32
    %multiple_of3A_50 = tpu.assume_multiple %add3A_49, 8 : i32
    %mul3A_51 = arith.constant 10240 : i32
    %mul3A_52 = arith.muli %arg0, %mul3A_51 : i32
    %multiple_of3A_53 = tpu.assume_multiple %mul3A_52, 8 : i32
    %add3A_54 = arith.addi %multiple_of3A_53, %multiple_of3A_50 : i32
    "tpu.region"() ({
      %run_scoped3A = tpu.sem_alloc : memref<!tpu.dma_semaphore, #tpu.memory_space<semaphore_mem>>
      %dma_start3A = arith.constant 0 : i32
      %dma_start3A_82 = tpu.memref_slice %arg6[%add3A_54, %dma_start3A] : memref<20480x128xf32, #tpu.memory_space<hbm>> -> memref<128x128xf32, #tpu.memory_space<hbm>>
      %dma_start3A_83 = arith.constant 0 : i32
      %dma_start3A_84 = tpu.memref_slice %arg11[%multiple_of3A_50, %dma_start3A_83] : memref<10240x128xf32, #tpu.memory_space<vmem_shared>> -> memref<128x128xf32, #tpu.memory_space<vmem_shared>>
      tpu.enqueue_dma source(%dma_start3A_84 : memref<128x128xf32, #tpu.memory_space<vmem_shared>>) target(%dma_start3A_82 : memref<128x128xf32, #tpu.memory_space<hbm>>) target_semaphore(%run_scoped3A : memref<!tpu.dma_semaphore, #tpu.memory_space<semaphore_mem>>)
      %dma_wait3A = arith.constant 0 : i32
      %dma_wait3A_85 = tpu.memref_slice %arg6[%add3A_54, %dma_wait3A] : memref<20480x128xf32, #tpu.memory_space<hbm>> -> memref<128x128xf32, #tpu.memory_space<hbm>>
      %dma_wait3A_86 = arith.constant 0 : i32
      %dma_wait3A_87 = tpu.memref_slice %arg11[%multiple_of3A_50, %dma_wait3A_86] : memref<10240x128xf32, #tpu.memory_space<vmem_shared>> -> memref<128x128xf32, #tpu.memory_space<vmem_shared>>
      tpu.wait_dma2 semaphore(%run_scoped3A : memref<!tpu.dma_semaphore, #tpu.memory_space<semaphore_mem>>) src(%dma_wait3A_87 : memref<128x128xf32, #tpu.memory_space<vmem_shared>>) dst(%dma_wait3A_85 : memref<128x128xf32, #tpu.memory_space<hbm>>)
      tpu.yield
    }) : () -> ()
    %mul3A_55 = arith.constant 640 : i32
    %mul3A_56 = arith.muli %arg1, %mul3A_55 : i32
    %add3A_57 = arith.constant 256 : i32
    %add3A_58 = arith.addi %mul3A_56, %add3A_57 : i32
    %multiple_of3A_59 = tpu.assume_multiple %add3A_58, 8 : i32
    %mul3A_60 = arith.constant 10240 : i32
    %mul3A_61 = arith.muli %arg0, %mul3A_60 : i32
    %multiple_of3A_62 = tpu.assume_multiple %mul3A_61, 8 : i32
    %add3A_63 = arith.addi %multiple_of3A_62, %multiple_of3A_59 : i32
    "tpu.region"() ({
      %run_scoped3A = tpu.sem_alloc : memref<!tpu.dma_semaphore, #tpu.memory_space<semaphore_mem>>
      %dma_start3A = arith.constant 0 : i32
      %dma_start3A_82 = tpu.memref_slice %arg6[%add3A_63, %dma_start3A] : memref<20480x128xf32, #tpu.memory_space<hbm>> -> memref<128x128xf32, #tpu.memory_space<hbm>>
      %dma_start3A_83 = arith.constant 0 : i32
      %dma_start3A_84 = tpu.memref_slice %arg11[%multiple_of3A_59, %dma_start3A_83] : memref<10240x128xf32, #tpu.memory_space<vmem_shared>> -> memref<128x128xf32, #tpu.memory_space<vmem_shared>>
      tpu.enqueue_dma source(%dma_start3A_84 : memref<128x128xf32, #tpu.memory_space<vmem_shared>>) target(%dma_start3A_82 : memref<128x128xf32, #tpu.memory_space<hbm>>) target_semaphore(%run_scoped3A : memref<!tpu.dma_semaphore, #tpu.memory_space<semaphore_mem>>)
      %dma_wait3A = arith.constant 0 : i32
      %dma_wait3A_85 = tpu.memref_slice %arg6[%add3A_63, %dma_wait3A] : memref<20480x128xf32, #tpu.memory_space<hbm>> -> memref<128x128xf32, #tpu.memory_space<hbm>>
      %dma_wait3A_86 = arith.constant 0 : i32
      %dma_wait3A_87 = tpu.memref_slice %arg11[%multiple_of3A_59, %dma_wait3A_86] : memref<10240x128xf32, #tpu.memory_space<vmem_shared>> -> memref<128x128xf32, #tpu.memory_space<vmem_shared>>
      tpu.wait_dma2 semaphore(%run_scoped3A : memref<!tpu.dma_semaphore, #tpu.memory_space<semaphore_mem>>) src(%dma_wait3A_87 : memref<128x128xf32, #tpu.memory_space<vmem_shared>>) dst(%dma_wait3A_85 : memref<128x128xf32, #tpu.memory_space<hbm>>)
      tpu.yield
    }) : () -> ()
    %mul3A_64 = arith.constant 640 : i32
    %mul3A_65 = arith.muli %arg1, %mul3A_64 : i32
    %add3A_66 = arith.constant 384 : i32
    %add3A_67 = arith.addi %mul3A_65, %add3A_66 : i32
    %multiple_of3A_68 = tpu.assume_multiple %add3A_67, 8 : i32
    %mul3A_69 = arith.constant 10240 : i32
    %mul3A_70 = arith.muli %arg0, %mul3A_69 : i32
    %multiple_of3A_71 = tpu.assume_multiple %mul3A_70, 8 : i32
    %add3A_72 = arith.addi %multiple_of3A_71, %multiple_of3A_68 : i32
    "tpu.region"() ({
      %run_scoped3A = tpu.sem_alloc : memref<!tpu.dma_semaphore, #tpu.memory_space<semaphore_mem>>
      %dma_start3A = arith.constant 0 : i32
      %dma_start3A_82 = tpu.memref_slice %arg6[%add3A_72, %dma_start3A] : memref<20480x128xf32, #tpu.memory_space<hbm>> -> memref<128x128xf32, #tpu.memory_space<hbm>>
      %dma_start3A_83 = arith.constant 0 : i32
      %dma_start3A_84 = tpu.memref_slice %arg11[%multiple_of3A_68, %dma_start3A_83] : memref<10240x128xf32, #tpu.memory_space<vmem_shared>> -> memref<128x128xf32, #tpu.memory_space<vmem_shared>>
      tpu.enqueue_dma source(%dma_start3A_84 : memref<128x128xf32, #tpu.memory_space<vmem_shared>>) target(%dma_start3A_82 : memref<128x128xf32, #tpu.memory_space<hbm>>) target_semaphore(%run_scoped3A : memref<!tpu.dma_semaphore, #tpu.memory_space<semaphore_mem>>)
      %dma_wait3A = arith.constant 0 : i32
      %dma_wait3A_85 = tpu.memref_slice %arg6[%add3A_72, %dma_wait3A] : memref<20480x128xf32, #tpu.memory_space<hbm>> -> memref<128x128xf32, #tpu.memory_space<hbm>>
      %dma_wait3A_86 = arith.constant 0 : i32
      %dma_wait3A_87 = tpu.memref_slice %arg11[%multiple_of3A_68, %dma_wait3A_86] : memref<10240x128xf32, #tpu.memory_space<vmem_shared>> -> memref<128x128xf32, #tpu.memory_space<vmem_shared>>
      tpu.wait_dma2 semaphore(%run_scoped3A : memref<!tpu.dma_semaphore, #tpu.memory_space<semaphore_mem>>) src(%dma_wait3A_87 : memref<128x128xf32, #tpu.memory_space<vmem_shared>>) dst(%dma_wait3A_85 : memref<128x128xf32, #tpu.memory_space<hbm>>)
      tpu.yield
    }) : () -> ()
    %mul3A_73 = arith.constant 640 : i32
    %mul3A_74 = arith.muli %arg1, %mul3A_73 : i32
    %add3A_75 = arith.constant 512 : i32
    %add3A_76 = arith.addi %mul3A_74, %add3A_75 : i32
    %multiple_of3A_77 = tpu.assume_multiple %add3A_76, 8 : i32
    %mul3A_78 = arith.constant 10240 : i32
    %mul3A_79 = arith.muli %arg0, %mul3A_78 : i32
    %multiple_of3A_80 = tpu.assume_multiple %mul3A_79, 8 : i32
    %add3A_81 = arith.addi %multiple_of3A_80, %multiple_of3A_77 : i32
    "tpu.region"() ({
      %run_scoped3A = tpu.sem_alloc : memref<!tpu.dma_semaphore, #tpu.memory_space<semaphore_mem>>
      %dma_start3A = arith.constant 0 : i32
      %dma_start3A_82 = tpu.memref_slice %arg6[%add3A_81, %dma_start3A] : memref<20480x128xf32, #tpu.memory_space<hbm>> -> memref<128x128xf32, #tpu.memory_space<hbm>>
      %dma_start3A_83 = arith.constant 0 : i32
      %dma_start3A_84 = tpu.memref_slice %arg11[%multiple_of3A_77, %dma_start3A_83] : memref<10240x128xf32, #tpu.memory_space<vmem_shared>> -> memref<128x128xf32, #tpu.memory_space<vmem_shared>>
      tpu.enqueue_dma source(%dma_start3A_84 : memref<128x128xf32, #tpu.memory_space<vmem_shared>>) target(%dma_start3A_82 : memref<128x128xf32, #tpu.memory_space<hbm>>) target_semaphore(%run_scoped3A : memref<!tpu.dma_semaphore, #tpu.memory_space<semaphore_mem>>)
      %dma_wait3A = arith.constant 0 : i32
      %dma_wait3A_85 = tpu.memref_slice %arg6[%add3A_81, %dma_wait3A] : memref<20480x128xf32, #tpu.memory_space<hbm>> -> memref<128x128xf32, #tpu.memory_space<hbm>>
      %dma_wait3A_86 = arith.constant 0 : i32
      %dma_wait3A_87 = tpu.memref_slice %arg11[%multiple_of3A_77, %dma_wait3A_86] : memref<10240x128xf32, #tpu.memory_space<vmem_shared>> -> memref<128x128xf32, #tpu.memory_space<vmem_shared>>
      tpu.wait_dma2 semaphore(%run_scoped3A : memref<!tpu.dma_semaphore, #tpu.memory_space<semaphore_mem>>) src(%dma_wait3A_87 : memref<128x128xf32, #tpu.memory_space<vmem_shared>>) dst(%dma_wait3A_85 : memref<128x128xf32, #tpu.memory_space<hbm>>)
      tpu.yield
    }) : () -> ()
    return
  }
}

#map = affine_map<(d0, d1) -> (0, 0)>
module attributes {stable_mosaic.version = 14 : i64} {
  func.func @sc_agg(%arg0: i32, %arg1: i32, %arg2: memref<10000x128xf32, #tpu.memory_space<hbm>>, %arg3: memref<1280x128xi32, #tpu.memory_space<hbm>>, %arg4: memref<1280x128xi32, #tpu.memory_space<hbm>>, %arg5: memref<163840x128xf32, #tpu.memory_space<hbm>>, %arg6: memref<20480x128xf32, #tpu.memory_space<hbm>>, %arg7: memref<8x128xi32, #tpu.memory_space<vmem>>, %arg8: memref<8x128xi32, #tpu.memory_space<vmem>>, %arg9: memref<128x128xf32, #tpu.memory_space<vmem>>, %arg10: memref<128x128xf32, #tpu.memory_space<vmem>>, %arg11: memref<10240x128xf32, #tpu.memory_space<vmem_shared>>, %arg12: memref<!tpu.dma_semaphore, #tpu.memory_space<semaphore_mem>>) attributes {dimension_semantics = [#tpu.dimension_semantics<core_parallel>, #tpu.dimension_semantics<subcore_parallel>], iteration_bounds = array<i64: 2, 16>, scalar_prefetch = 0 : i64, scratch_operands = 6 : i64, tpu.core_type = #tpu.core_type<sc_vector_subcore>, window_params = [{transform_indices = #map}, {transform_indices = #map}, {transform_indices = #map}, {transform_indices = #map}, {transform_indices = #map}]} {
    %mul3A = arith.constant 16 : i32
    %mul3A_0 = arith.muli %arg0, %mul3A : i32
    %add3A = arith.addi %mul3A_0, %arg1 : i32
    %scan3A = arith.constant 0 : i32
    %scan3A_1 = arith.constant 0 : i32
    %scan3A_2 = arith.constant 128 : i32
    %scan3A_3 = arith.addi %scan3A_1, %scan3A_2 : i32
    %scan3A_4 = arith.constant 1 : i32
    scf.for %scan3A_82 = %scan3A_1 to %scan3A_3 step %scan3A_4  : i32 {
      %broadcast_in_dim3A = arith.constant 0.000000e+00 : f32
      %broadcast_in_dim3A_83 = vector.broadcast %broadcast_in_dim3A : f32 to vector<16xf32>
      %swap3A = arith.index_cast %scan3A_82 : i32 to index
      %swap3A_84 = arith.constant 0 : index
      %swap3A_85 = tpu.vector_load %arg9[%swap3A, %swap3A_84] {strides = array<i32>} : memref<128x128xf32, #tpu.memory_space<vmem>>, vector<1x16xf32>,
      %swap3A_86 = vector.shape_cast %swap3A_85 : vector<1x16xf32> to vector<16xf32>
      %swap3A_87 = vector.shape_cast %broadcast_in_dim3A_83 : vector<16xf32> to vector<1x16xf32>
      tpu.vector_store %arg9[%swap3A, %swap3A_84], %swap3A_87 {strides = array<i32>} : memref<128x128xf32, #tpu.memory_space<vmem>>, vector<1x16xf32>,
      %broadcast_in_dim3A_88 = arith.constant 0.000000e+00 : f32
      %broadcast_in_dim3A_89 = vector.broadcast %broadcast_in_dim3A_88 : f32 to vector<16xf32>
      %swap3A_90 = arith.index_cast %scan3A_82 : i32 to index
      %swap3A_91 = arith.constant 16 : index
      %swap3A_92 = tpu.vector_load %arg9[%swap3A_90, %swap3A_91] {strides = array<i32>} : memref<128x128xf32, #tpu.memory_space<vmem>>, vector<1x16xf32>,
      %swap3A_93 = vector.shape_cast %swap3A_92 : vector<1x16xf32> to vector<16xf32>
      %swap3A_94 = vector.shape_cast %broadcast_in_dim3A_89 : vector<16xf32> to vector<1x16xf32>
      tpu.vector_store %arg9[%swap3A_90, %swap3A_91], %swap3A_94 {strides = array<i32>} : memref<128x128xf32, #tpu.memory_space<vmem>>, vector<1x16xf32>,
      %broadcast_in_dim3A_95 = arith.constant 0.000000e+00 : f32
      %broadcast_in_dim3A_96 = vector.broadcast %broadcast_in_dim3A_95 : f32 to vector<16xf32>
      %swap3A_97 = arith.index_cast %scan3A_82 : i32 to index
      %swap3A_98 = arith.constant 32 : index
      %swap3A_99 = tpu.vector_load %arg9[%swap3A_97, %swap3A_98] {strides = array<i32>} : memref<128x128xf32, #tpu.memory_space<vmem>>, vector<1x16xf32>,
      %swap3A_100 = vector.shape_cast %swap3A_99 : vector<1x16xf32> to vector<16xf32>
      %swap3A_101 = vector.shape_cast %broadcast_in_dim3A_96 : vector<16xf32> to vector<1x16xf32>
      tpu.vector_store %arg9[%swap3A_97, %swap3A_98], %swap3A_101 {strides = array<i32>} : memref<128x128xf32, #tpu.memory_space<vmem>>, vector<1x16xf32>,
      %broadcast_in_dim3A_102 = arith.constant 0.000000e+00 : f32
      %broadcast_in_dim3A_103 = vector.broadcast %broadcast_in_dim3A_102 : f32 to vector<16xf32>
      %swap3A_104 = arith.index_cast %scan3A_82 : i32 to index
      %swap3A_105 = arith.constant 48 : index
      %swap3A_106 = tpu.vector_load %arg9[%swap3A_104, %swap3A_105] {strides = array<i32>} : memref<128x128xf32, #tpu.memory_space<vmem>>, vector<1x16xf32>,
      %swap3A_107 = vector.shape_cast %swap3A_106 : vector<1x16xf32> to vector<16xf32>
      %swap3A_108 = vector.shape_cast %broadcast_in_dim3A_103 : vector<16xf32> to vector<1x16xf32>
      tpu.vector_store %arg9[%swap3A_104, %swap3A_105], %swap3A_108 {strides = array<i32>} : memref<128x128xf32, #tpu.memory_space<vmem>>, vector<1x16xf32>,
      %broadcast_in_dim3A_109 = arith.constant 0.000000e+00 : f32
      %broadcast_in_dim3A_110 = vector.broadcast %broadcast_in_dim3A_109 : f32 to vector<16xf32>
      %swap3A_111 = arith.index_cast %scan3A_82 : i32 to index
      %swap3A_112 = arith.constant 64 : index
      %swap3A_113 = tpu.vector_load %arg9[%swap3A_111, %swap3A_112] {strides = array<i32>} : memref<128x128xf32, #tpu.memory_space<vmem>>, vector<1x16xf32>,
      %swap3A_114 = vector.shape_cast %swap3A_113 : vector<1x16xf32> to vector<16xf32>
      %swap3A_115 = vector.shape_cast %broadcast_in_dim3A_110 : vector<16xf32> to vector<1x16xf32>
      tpu.vector_store %arg9[%swap3A_111, %swap3A_112], %swap3A_115 {strides = array<i32>} : memref<128x128xf32, #tpu.memory_space<vmem>>, vector<1x16xf32>,
      %broadcast_in_dim3A_116 = arith.constant 0.000000e+00 : f32
      %broadcast_in_dim3A_117 = vector.broadcast %broadcast_in_dim3A_116 : f32 to vector<16xf32>
      %swap3A_118 = arith.index_cast %scan3A_82 : i32 to index
      %swap3A_119 = arith.constant 80 : index
      %swap3A_120 = tpu.vector_load %arg9[%swap3A_118, %swap3A_119] {strides = array<i32>} : memref<128x128xf32, #tpu.memory_space<vmem>>, vector<1x16xf32>,
      %swap3A_121 = vector.shape_cast %swap3A_120 : vector<1x16xf32> to vector<16xf32>
      %swap3A_122 = vector.shape_cast %broadcast_in_dim3A_117 : vector<16xf32> to vector<1x16xf32>
      tpu.vector_store %arg9[%swap3A_118, %swap3A_119], %swap3A_122 {strides = array<i32>} : memref<128x128xf32, #tpu.memory_space<vmem>>, vector<1x16xf32>,
      %broadcast_in_dim3A_123 = arith.constant 0.000000e+00 : f32
      %broadcast_in_dim3A_124 = vector.broadcast %broadcast_in_dim3A_123 : f32 to vector<16xf32>
      %swap3A_125 = arith.index_cast %scan3A_82 : i32 to index
      %swap3A_126 = arith.constant 96 : index
      %swap3A_127 = tpu.vector_load %arg9[%swap3A_125, %swap3A_126] {strides = array<i32>} : memref<128x128xf32, #tpu.memory_space<vmem>>, vector<1x16xf32>,
      %swap3A_128 = vector.shape_cast %swap3A_127 : vector<1x16xf32> to vector<16xf32>
      %swap3A_129 = vector.shape_cast %broadcast_in_dim3A_124 : vector<16xf32> to vector<1x16xf32>
      tpu.vector_store %arg9[%swap3A_125, %swap3A_126], %swap3A_129 {strides = array<i32>} : memref<128x128xf32, #tpu.memory_space<vmem>>, vector<1x16xf32>,
      %broadcast_in_dim3A_130 = arith.constant 0.000000e+00 : f32
      %broadcast_in_dim3A_131 = vector.broadcast %broadcast_in_dim3A_130 : f32 to vector<16xf32>
      %swap3A_132 = arith.index_cast %scan3A_82 : i32 to index
      %swap3A_133 = arith.constant 112 : index
      %swap3A_134 = tpu.vector_load %arg9[%swap3A_132, %swap3A_133] {strides = array<i32>} : memref<128x128xf32, #tpu.memory_space<vmem>>, vector<1x16xf32>,
      %swap3A_135 = vector.shape_cast %swap3A_134 : vector<1x16xf32> to vector<16xf32>
      %swap3A_136 = vector.shape_cast %broadcast_in_dim3A_131 : vector<16xf32> to vector<1x16xf32>
      tpu.vector_store %arg9[%swap3A_132, %swap3A_133], %swap3A_136 {strides = array<i32>} : memref<128x128xf32, #tpu.memory_space<vmem>>, vector<1x16xf32>,
    }
    %scan3A_5 = arith.constant 128 : i32
    %mul3A_6 = arith.constant 640 : i32
    %mul3A_7 = arith.muli %arg1, %mul3A_6 : i32
    %add3A_8 = arith.constant 0 : i32
    %add3A_9 = arith.addi %mul3A_7, %add3A_8 : i32
    %multiple_of3A = tpu.assume_multiple %add3A_9, 8 : i32
    "tpu.region"() ({
      %run_scoped3A = tpu.sem_alloc : memref<!tpu.dma_semaphore, #tpu.memory_space<semaphore_mem>>
      %dma_start3A = arith.constant 0 : i32
      %dma_start3A_82 = tpu.memref_slice %arg11[%multiple_of3A, %dma_start3A] : memref<10240x128xf32, #tpu.memory_space<vmem_shared>> -> memref<128x128xf32, #tpu.memory_space<vmem_shared>>
      %dma_start3A_83 = arith.constant 0 : i32
      %dma_start3A_84 = tpu.memref_slice %arg11[%multiple_of3A, %dma_start3A_83] : memref<10240x128xf32, #tpu.memory_space<vmem_shared>> -> memref<128x128xf32, #tpu.memory_space<vmem_shared>>
      tpu.enqueue_dma source(%arg9 : memref<128x128xf32, #tpu.memory_space<vmem>>) target(%dma_start3A_84 : memref<128x128xf32, #tpu.memory_space<vmem_shared>>) target_semaphore(%run_scoped3A : memref<!tpu.dma_semaphore, #tpu.memory_space<semaphore_mem>>)
      %dma_wait3A = arith.constant 0 : i32
      %dma_wait3A_85 = tpu.memref_slice %arg11[%multiple_of3A, %dma_wait3A] : memref<10240x128xf32, #tpu.memory_space<vmem_shared>> -> memref<128x128xf32, #tpu.memory_space<vmem_shared>>
      %dma_wait3A_86 = arith.constant 0 : i32
      %dma_wait3A_87 = tpu.memref_slice %arg11[%multiple_of3A, %dma_wait3A_86] : memref<10240x128xf32, #tpu.memory_space<vmem_shared>> -> memref<128x128xf32, #tpu.memory_space<vmem_shared>>
      tpu.wait_dma2 semaphore(%run_scoped3A : memref<!tpu.dma_semaphore, #tpu.memory_space<semaphore_mem>>) src(%arg9 : memref<128x128xf32, #tpu.memory_space<vmem>>) dst(%dma_wait3A_87 : memref<128x128xf32, #tpu.memory_space<vmem_shared>>)
      tpu.yield
    }) : () -> ()
    %mul3A_10 = arith.constant 640 : i32
    %mul3A_11 = arith.muli %arg1, %mul3A_10 : i32
    %add3A_12 = arith.constant 128 : i32
    %add3A_13 = arith.addi %mul3A_11, %add3A_12 : i32
    %multiple_of3A_14 = tpu.assume_multiple %add3A_13, 8 : i32
    "tpu.region"() ({
      %run_scoped3A = tpu.sem_alloc : memref<!tpu.dma_semaphore, #tpu.memory_space<semaphore_mem>>
      %dma_start3A = arith.constant 0 : i32
      %dma_start3A_82 = tpu.memref_slice %arg11[%multiple_of3A_14, %dma_start3A] : memref<10240x128xf32, #tpu.memory_space<vmem_shared>> -> memref<128x128xf32, #tpu.memory_space<vmem_shared>>
      %dma_start3A_83 = arith.constant 0 : i32
      %dma_start3A_84 = tpu.memref_slice %arg11[%multiple_of3A_14, %dma_start3A_83] : memref<10240x128xf32, #tpu.memory_space<vmem_shared>> -> memref<128x128xf32, #tpu.memory_space<vmem_shared>>
      tpu.enqueue_dma source(%arg9 : memref<128x128xf32, #tpu.memory_space<vmem>>) target(%dma_start3A_84 : memref<128x128xf32, #tpu.memory_space<vmem_shared>>) target_semaphore(%run_scoped3A : memref<!tpu.dma_semaphore, #tpu.memory_space<semaphore_mem>>)
      %dma_wait3A = arith.constant 0 : i32
      %dma_wait3A_85 = tpu.memref_slice %arg11[%multiple_of3A_14, %dma_wait3A] : memref<10240x128xf32, #tpu.memory_space<vmem_shared>> -> memref<128x128xf32, #tpu.memory_space<vmem_shared>>
      %dma_wait3A_86 = arith.constant 0 : i32
      %dma_wait3A_87 = tpu.memref_slice %arg11[%multiple_of3A_14, %dma_wait3A_86] : memref<10240x128xf32, #tpu.memory_space<vmem_shared>> -> memref<128x128xf32, #tpu.memory_space<vmem_shared>>
      tpu.wait_dma2 semaphore(%run_scoped3A : memref<!tpu.dma_semaphore, #tpu.memory_space<semaphore_mem>>) src(%arg9 : memref<128x128xf32, #tpu.memory_space<vmem>>) dst(%dma_wait3A_87 : memref<128x128xf32, #tpu.memory_space<vmem_shared>>)
      tpu.yield
    }) : () -> ()
    %mul3A_15 = arith.constant 640 : i32
    %mul3A_16 = arith.muli %arg1, %mul3A_15 : i32
    %add3A_17 = arith.constant 256 : i32
    %add3A_18 = arith.addi %mul3A_16, %add3A_17 : i32
    %multiple_of3A_19 = tpu.assume_multiple %add3A_18, 8 : i32
    "tpu.region"() ({
      %run_scoped3A = tpu.sem_alloc : memref<!tpu.dma_semaphore, #tpu.memory_space<semaphore_mem>>
      %dma_start3A = arith.constant 0 : i32
      %dma_start3A_82 = tpu.memref_slice %arg11[%multiple_of3A_19, %dma_start3A] : memref<10240x128xf32, #tpu.memory_space<vmem_shared>> -> memref<128x128xf32, #tpu.memory_space<vmem_shared>>
      %dma_start3A_83 = arith.constant 0 : i32
      %dma_start3A_84 = tpu.memref_slice %arg11[%multiple_of3A_19, %dma_start3A_83] : memref<10240x128xf32, #tpu.memory_space<vmem_shared>> -> memref<128x128xf32, #tpu.memory_space<vmem_shared>>
      tpu.enqueue_dma source(%arg9 : memref<128x128xf32, #tpu.memory_space<vmem>>) target(%dma_start3A_84 : memref<128x128xf32, #tpu.memory_space<vmem_shared>>) target_semaphore(%run_scoped3A : memref<!tpu.dma_semaphore, #tpu.memory_space<semaphore_mem>>)
      %dma_wait3A = arith.constant 0 : i32
      %dma_wait3A_85 = tpu.memref_slice %arg11[%multiple_of3A_19, %dma_wait3A] : memref<10240x128xf32, #tpu.memory_space<vmem_shared>> -> memref<128x128xf32, #tpu.memory_space<vmem_shared>>
      %dma_wait3A_86 = arith.constant 0 : i32
      %dma_wait3A_87 = tpu.memref_slice %arg11[%multiple_of3A_19, %dma_wait3A_86] : memref<10240x128xf32, #tpu.memory_space<vmem_shared>> -> memref<128x128xf32, #tpu.memory_space<vmem_shared>>
      tpu.wait_dma2 semaphore(%run_scoped3A : memref<!tpu.dma_semaphore, #tpu.memory_space<semaphore_mem>>) src(%arg9 : memref<128x128xf32, #tpu.memory_space<vmem>>) dst(%dma_wait3A_87 : memref<128x128xf32, #tpu.memory_space<vmem_shared>>)
      tpu.yield
    }) : () -> ()
    %mul3A_20 = arith.constant 640 : i32
    %mul3A_21 = arith.muli %arg1, %mul3A_20 : i32
    %add3A_22 = arith.constant 384 : i32
    %add3A_23 = arith.addi %mul3A_21, %add3A_22 : i32
    %multiple_of3A_24 = tpu.assume_multiple %add3A_23, 8 : i32
    "tpu.region"() ({
      %run_scoped3A = tpu.sem_alloc : memref<!tpu.dma_semaphore, #tpu.memory_space<semaphore_mem>>
      %dma_start3A = arith.constant 0 : i32
      %dma_start3A_82 = tpu.memref_slice %arg11[%multiple_of3A_24, %dma_start3A] : memref<10240x128xf32, #tpu.memory_space<vmem_shared>> -> memref<128x128xf32, #tpu.memory_space<vmem_shared>>
      %dma_start3A_83 = arith.constant 0 : i32
      %dma_start3A_84 = tpu.memref_slice %arg11[%multiple_of3A_24, %dma_start3A_83] : memref<10240x128xf32, #tpu.memory_space<vmem_shared>> -> memref<128x128xf32, #tpu.memory_space<vmem_shared>>
      tpu.enqueue_dma source(%arg9 : memref<128x128xf32, #tpu.memory_space<vmem>>) target(%dma_start3A_84 : memref<128x128xf32, #tpu.memory_space<vmem_shared>>) target_semaphore(%run_scoped3A : memref<!tpu.dma_semaphore, #tpu.memory_space<semaphore_mem>>)
      %dma_wait3A = arith.constant 0 : i32
      %dma_wait3A_85 = tpu.memref_slice %arg11[%multiple_of3A_24, %dma_wait3A] : memref<10240x128xf32, #tpu.memory_space<vmem_shared>> -> memref<128x128xf32, #tpu.memory_space<vmem_shared>>
      %dma_wait3A_86 = arith.constant 0 : i32
      %dma_wait3A_87 = tpu.memref_slice %arg11[%multiple_of3A_24, %dma_wait3A_86] : memref<10240x128xf32, #tpu.memory_space<vmem_shared>> -> memref<128x128xf32, #tpu.memory_space<vmem_shared>>
      tpu.wait_dma2 semaphore(%run_scoped3A : memref<!tpu.dma_semaphore, #tpu.memory_space<semaphore_mem>>) src(%arg9 : memref<128x128xf32, #tpu.memory_space<vmem>>) dst(%dma_wait3A_87 : memref<128x128xf32, #tpu.memory_space<vmem_shared>>)
      tpu.yield
    }) : () -> ()
    %mul3A_25 = arith.constant 640 : i32
    %mul3A_26 = arith.muli %arg1, %mul3A_25 : i32
    %add3A_27 = arith.constant 512 : i32
    %add3A_28 = arith.addi %mul3A_26, %add3A_27 : i32
    %multiple_of3A_29 = tpu.assume_multiple %add3A_28, 8 : i32
    "tpu.region"() ({
      %run_scoped3A = tpu.sem_alloc : memref<!tpu.dma_semaphore, #tpu.memory_space<semaphore_mem>>
      %dma_start3A = arith.constant 0 : i32
      %dma_start3A_82 = tpu.memref_slice %arg11[%multiple_of3A_29, %dma_start3A] : memref<10240x128xf32, #tpu.memory_space<vmem_shared>> -> memref<128x128xf32, #tpu.memory_space<vmem_shared>>
      %dma_start3A_83 = arith.constant 0 : i32
      %dma_start3A_84 = tpu.memref_slice %arg11[%multiple_of3A_29, %dma_start3A_83] : memref<10240x128xf32, #tpu.memory_space<vmem_shared>> -> memref<128x128xf32, #tpu.memory_space<vmem_shared>>
      tpu.enqueue_dma source(%arg9 : memref<128x128xf32, #tpu.memory_space<vmem>>) target(%dma_start3A_84 : memref<128x128xf32, #tpu.memory_space<vmem_shared>>) target_semaphore(%run_scoped3A : memref<!tpu.dma_semaphore, #tpu.memory_space<semaphore_mem>>)
      %dma_wait3A = arith.constant 0 : i32
      %dma_wait3A_85 = tpu.memref_slice %arg11[%multiple_of3A_29, %dma_wait3A] : memref<10240x128xf32, #tpu.memory_space<vmem_shared>> -> memref<128x128xf32, #tpu.memory_space<vmem_shared>>
      %dma_wait3A_86 = arith.constant 0 : i32
      %dma_wait3A_87 = tpu.memref_slice %arg11[%multiple_of3A_29, %dma_wait3A_86] : memref<10240x128xf32, #tpu.memory_space<vmem_shared>> -> memref<128x128xf32, #tpu.memory_space<vmem_shared>>
      tpu.wait_dma2 semaphore(%run_scoped3A : memref<!tpu.dma_semaphore, #tpu.memory_space<semaphore_mem>>) src(%arg9 : memref<128x128xf32, #tpu.memory_space<vmem>>) dst(%dma_wait3A_87 : memref<128x128xf32, #tpu.memory_space<vmem_shared>>)
      tpu.yield
    }) : () -> ()
    %barrier3A = arith.constant 0 : index
    tpu.barrier barrier_id(%barrier3A)
    %scan3A_30 = arith.constant 0 : i32
    %scan3A_31 = arith.constant 0 : i32
    %scan3A_32 = arith.constant 5 : i32
    %scan3A_33 = arith.addi %scan3A_31, %scan3A_32 : i32
    %scan3A_34 = arith.constant 1 : i32
    scf.for %scan3A_82 = %scan3A_31 to %scan3A_33 step %scan3A_34  : i32 {
      %mul3A_83 = arith.constant 40 : i32
      %mul3A_84 = arith.muli %add3A, %mul3A_83 : i32
      %mul3A_85 = arith.constant 8 : i32
      %mul3A_86 = arith.muli %scan3A_82, %mul3A_85 : i32
      %add3A_87 = arith.addi %mul3A_84, %mul3A_86 : i32
      %multiple_of3A_88 = tpu.assume_multiple %add3A_87, 8 : i32
      "tpu.region"() ({
        %run_scoped3A = tpu.sem_alloc : memref<!tpu.dma_semaphore, #tpu.memory_space<semaphore_mem>>
        %dma_start3A = arith.constant 0 : i32
        %dma_start3A_95 = tpu.memref_slice %arg3[%multiple_of3A_88, %dma_start3A] : memref<1280x128xi32, #tpu.memory_space<hbm>> -> memref<8x128xi32, #tpu.memory_space<hbm>>
        %dma_start3A_96 = arith.constant 0 : i32
        %dma_start3A_97 = tpu.memref_slice %arg3[%multiple_of3A_88, %dma_start3A_96] : memref<1280x128xi32, #tpu.memory_space<hbm>> -> memref<8x128xi32, #tpu.memory_space<hbm>>
        tpu.enqueue_dma source(%dma_start3A_97 : memref<8x128xi32, #tpu.memory_space<hbm>>) target(%arg7 : memref<8x128xi32, #tpu.memory_space<vmem>>) target_semaphore(%run_scoped3A : memref<!tpu.dma_semaphore, #tpu.memory_space<semaphore_mem>>)
        %dma_wait3A = arith.constant 0 : i32
        %dma_wait3A_98 = tpu.memref_slice %arg3[%multiple_of3A_88, %dma_wait3A] : memref<1280x128xi32, #tpu.memory_space<hbm>> -> memref<8x128xi32, #tpu.memory_space<hbm>>
        %dma_wait3A_99 = arith.constant 0 : i32
        %dma_wait3A_100 = tpu.memref_slice %arg3[%multiple_of3A_88, %dma_wait3A_99] : memref<1280x128xi32, #tpu.memory_space<hbm>> -> memref<8x128xi32, #tpu.memory_space<hbm>>
        tpu.wait_dma2 semaphore(%run_scoped3A : memref<!tpu.dma_semaphore, #tpu.memory_space<semaphore_mem>>) src(%dma_wait3A_100 : memref<8x128xi32, #tpu.memory_space<hbm>>) dst(%arg7 : memref<8x128xi32, #tpu.memory_space<vmem>>)
        tpu.yield
      }) : () -> ()
      "tpu.region"() ({
        %run_scoped3A = tpu.sem_alloc : memref<!tpu.dma_semaphore, #tpu.memory_space<semaphore_mem>>
        %dma_start3A = arith.constant 0 : i32
        %dma_start3A_95 = tpu.memref_slice %arg4[%multiple_of3A_88, %dma_start3A] : memref<1280x128xi32, #tpu.memory_space<hbm>> -> memref<8x128xi32, #tpu.memory_space<hbm>>
        %dma_start3A_96 = arith.constant 0 : i32
        %dma_start3A_97 = tpu.memref_slice %arg4[%multiple_of3A_88, %dma_start3A_96] : memref<1280x128xi32, #tpu.memory_space<hbm>> -> memref<8x128xi32, #tpu.memory_space<hbm>>
        tpu.enqueue_dma source(%dma_start3A_97 : memref<8x128xi32, #tpu.memory_space<hbm>>) target(%arg8 : memref<8x128xi32, #tpu.memory_space<vmem>>) target_semaphore(%run_scoped3A : memref<!tpu.dma_semaphore, #tpu.memory_space<semaphore_mem>>)
        %dma_wait3A = arith.constant 0 : i32
        %dma_wait3A_98 = tpu.memref_slice %arg4[%multiple_of3A_88, %dma_wait3A] : memref<1280x128xi32, #tpu.memory_space<hbm>> -> memref<8x128xi32, #tpu.memory_space<hbm>>
        %dma_wait3A_99 = arith.constant 0 : i32
        %dma_wait3A_100 = tpu.memref_slice %arg4[%multiple_of3A_88, %dma_wait3A_99] : memref<1280x128xi32, #tpu.memory_space<hbm>> -> memref<8x128xi32, #tpu.memory_space<hbm>>
        tpu.wait_dma2 semaphore(%run_scoped3A : memref<!tpu.dma_semaphore, #tpu.memory_space<semaphore_mem>>) src(%dma_wait3A_100 : memref<8x128xi32, #tpu.memory_space<hbm>>) dst(%arg8 : memref<8x128xi32, #tpu.memory_space<vmem>>)
        tpu.yield
      }) : () -> ()
      %scan3A_89 = arith.constant 0 : i32
      %scan3A_90 = arith.constant 0 : i32
      %scan3A_91 = arith.constant 8 : i32
      %scan3A_92 = arith.addi %scan3A_90, %scan3A_91 : i32
      %scan3A_93 = arith.constant 1 : i32
      scf.for %scan3A_95 = %scan3A_90 to %scan3A_92 step %scan3A_93  : i32 {
        %mul3A_96 = arith.constant 40 : i32
        %mul3A_97 = arith.muli %add3A, %mul3A_96 : i32
        %mul3A_98 = arith.constant 8 : i32
        %mul3A_99 = arith.muli %scan3A_82, %mul3A_98 : i32
        %add3A_100 = arith.addi %mul3A_97, %mul3A_99 : i32
        %add3A_101 = arith.addi %add3A_100, %scan3A_95 : i32
        %mul3A_102 = arith.constant 128 : i32
        %mul3A_103 = arith.muli %add3A_101, %mul3A_102 : i32
        %multiple_of3A_104 = tpu.assume_multiple %mul3A_103, 8 : i32
        "tpu.region"() ({
          %run_scoped3A = tpu.sem_alloc : memref<!tpu.dma_semaphore, #tpu.memory_space<semaphore_mem>>
          %dma_start3A_121 = arith.constant 0 : i32
          %dma_start3A_122 = tpu.memref_slice %arg5[%multiple_of3A_104, %dma_start3A_121] : memref<163840x128xf32, #tpu.memory_space<hbm>> -> memref<128x128xf32, #tpu.memory_space<hbm>>
          %dma_start3A_123 = arith.constant 0 : i32
          %dma_start3A_124 = tpu.memref_slice %arg5[%multiple_of3A_104, %dma_start3A_123] : memref<163840x128xf32, #tpu.memory_space<hbm>> -> memref<128x128xf32, #tpu.memory_space<hbm>>
          tpu.enqueue_dma source(%dma_start3A_124 : memref<128x128xf32, #tpu.memory_space<hbm>>) target(%arg10 : memref<128x128xf32, #tpu.memory_space<vmem>>) target_semaphore(%run_scoped3A : memref<!tpu.dma_semaphore, #tpu.memory_space<semaphore_mem>>)
          %dma_wait3A_125 = arith.constant 0 : i32
          %dma_wait3A_126 = tpu.memref_slice %arg5[%multiple_of3A_104, %dma_wait3A_125] : memref<163840x128xf32, #tpu.memory_space<hbm>> -> memref<128x128xf32, #tpu.memory_space<hbm>>
          %dma_wait3A_127 = arith.constant 0 : i32
          %dma_wait3A_128 = tpu.memref_slice %arg5[%multiple_of3A_104, %dma_wait3A_127] : memref<163840x128xf32, #tpu.memory_space<hbm>> -> memref<128x128xf32, #tpu.memory_space<hbm>>
          tpu.wait_dma2 semaphore(%run_scoped3A : memref<!tpu.dma_semaphore, #tpu.memory_space<semaphore_mem>>) src(%dma_wait3A_128 : memref<128x128xf32, #tpu.memory_space<hbm>>) dst(%arg10 : memref<128x128xf32, #tpu.memory_space<vmem>>)
          tpu.yield
        }) : () -> ()
        %dma_start3A = arith.constant 0 : i32
        %dma_start3A_105 = tpu.memref_slice %arg7[%scan3A_95, %dma_start3A] : memref<8x128xi32, #tpu.memory_space<vmem>> -> memref<1x128xi32, #tpu.memory_space<vmem>>
        %dma_start3A_106 = tpu.memref_squeeze %dma_start3A_105 : memref<1x128xi32, #tpu.memory_space<vmem>> -> memref<128xi32, #tpu.memory_space<vmem>>
        %dma_start3A_107 = arith.constant 0 : i32
        %dma_start3A_108 = arith.constant 0 : i32
        %dma_start3A_109 = tpu.memref_slice %arg2[%dma_start3A_107, %dma_start3A_108] : memref<10000x128xf32, #tpu.memory_space<hbm>> -> memref<10000x128xf32, #tpu.memory_space<hbm>>
        tpu.enqueue_indirect_dma source(%dma_start3A_109 : memref<10000x128xf32, #tpu.memory_space<hbm>>) target(%arg9 : memref<128x128xf32, #tpu.memory_space<vmem>>) offsets(%dma_start3A_106 : memref<128xi32, #tpu.memory_space<vmem>>) semaphore(%arg12 : memref<!tpu.dma_semaphore, #tpu.memory_space<semaphore_mem>>)
        %dma_wait3A = arith.constant 0 : i32
        %dma_wait3A_110 = tpu.memref_slice %arg7[%scan3A_95, %dma_wait3A] : memref<8x128xi32, #tpu.memory_space<vmem>> -> memref<1x128xi32, #tpu.memory_space<vmem>>
        %dma_wait3A_111 = tpu.memref_squeeze %dma_wait3A_110 : memref<1x128xi32, #tpu.memory_space<vmem>> -> memref<128xi32, #tpu.memory_space<vmem>>
        %dma_wait3A_112 = arith.constant 0 : i32
        %dma_wait3A_113 = arith.constant 0 : i32
        %dma_wait3A_114 = tpu.memref_slice %arg2[%dma_wait3A_112, %dma_wait3A_113] : memref<10000x128xf32, #tpu.memory_space<hbm>> -> memref<10000x128xf32, #tpu.memory_space<hbm>>
        tpu.wait_indirect_dma semaphore(%arg12 : memref<!tpu.dma_semaphore, #tpu.memory_space<semaphore_mem>>) src(%dma_wait3A_114 : memref<10000x128xf32, #tpu.memory_space<hbm>>) dst(%arg9 : memref<128x128xf32, #tpu.memory_space<vmem>>)
        %scan3A_115 = arith.constant 0 : i32
        %scan3A_116 = arith.constant 0 : i32
        %scan3A_117 = arith.constant 128 : i32
        %scan3A_118 = arith.addi %scan3A_116, %scan3A_117 : i32
        %scan3A_119 = arith.constant 1 : i32
        scf.for %scan3A_121 = %scan3A_116 to %scan3A_118 step %scan3A_119  : i32 {
          %get3A = arith.index_cast %scan3A_121 : i32 to index
          %get3A_122 = arith.constant 0 : index
          %get3A_123 = tpu.vector_load %arg9[%get3A, %get3A_122] {strides = array<i32>} : memref<128x128xf32, #tpu.memory_space<vmem>>, vector<1x16xf32>,
          %get3A_124 = vector.shape_cast %get3A_123 : vector<1x16xf32> to vector<16xf32>
          %get3A_125 = arith.index_cast %scan3A_121 : i32 to index
          %get3A_126 = arith.constant 0 : index
          %get3A_127 = tpu.vector_load %arg10[%get3A_125, %get3A_126] {strides = array<i32>} : memref<128x128xf32, #tpu.memory_space<vmem>>, vector<1x16xf32>,
          %get3A_128 = vector.shape_cast %get3A_127 : vector<1x16xf32> to vector<16xf32>
          %add3A_129 = arith.addf %get3A_124, %get3A_128 : vector<16xf32>
          %max3A = arith.constant 0.000000e+00 : f32
          %max3A_130 = vector.broadcast %max3A : f32 to vector<16xf32>
          %max3A_131 = arith.maximumf %add3A_129, %max3A_130 : vector<16xf32>
          %swap3A = arith.index_cast %scan3A_121 : i32 to index
          %swap3A_132 = arith.constant 0 : index
          %swap3A_133 = tpu.vector_load %arg9[%swap3A, %swap3A_132] {strides = array<i32>} : memref<128x128xf32, #tpu.memory_space<vmem>>, vector<1x16xf32>,
          %swap3A_134 = vector.shape_cast %swap3A_133 : vector<1x16xf32> to vector<16xf32>
          %swap3A_135 = vector.shape_cast %max3A_131 : vector<16xf32> to vector<1x16xf32>
          tpu.vector_store %arg9[%swap3A, %swap3A_132], %swap3A_135 {strides = array<i32>} : memref<128x128xf32, #tpu.memory_space<vmem>>, vector<1x16xf32>,
          %get3A_136 = arith.index_cast %scan3A_121 : i32 to index
          %get3A_137 = arith.constant 16 : index
          %get3A_138 = tpu.vector_load %arg9[%get3A_136, %get3A_137] {strides = array<i32>} : memref<128x128xf32, #tpu.memory_space<vmem>>, vector<1x16xf32>,
          %get3A_139 = vector.shape_cast %get3A_138 : vector<1x16xf32> to vector<16xf32>
          %get3A_140 = arith.index_cast %scan3A_121 : i32 to index
          %get3A_141 = arith.constant 16 : index
          %get3A_142 = tpu.vector_load %arg10[%get3A_140, %get3A_141] {strides = array<i32>} : memref<128x128xf32, #tpu.memory_space<vmem>>, vector<1x16xf32>,
          %get3A_143 = vector.shape_cast %get3A_142 : vector<1x16xf32> to vector<16xf32>
          %add3A_144 = arith.addf %get3A_139, %get3A_143 : vector<16xf32>
          %max3A_145 = arith.constant 0.000000e+00 : f32
          %max3A_146 = vector.broadcast %max3A_145 : f32 to vector<16xf32>
          %max3A_147 = arith.maximumf %add3A_144, %max3A_146 : vector<16xf32>
          %swap3A_148 = arith.index_cast %scan3A_121 : i32 to index
          %swap3A_149 = arith.constant 16 : index
          %swap3A_150 = tpu.vector_load %arg9[%swap3A_148, %swap3A_149] {strides = array<i32>} : memref<128x128xf32, #tpu.memory_space<vmem>>, vector<1x16xf32>,
          %swap3A_151 = vector.shape_cast %swap3A_150 : vector<1x16xf32> to vector<16xf32>
          %swap3A_152 = vector.shape_cast %max3A_147 : vector<16xf32> to vector<1x16xf32>
          tpu.vector_store %arg9[%swap3A_148, %swap3A_149], %swap3A_152 {strides = array<i32>} : memref<128x128xf32, #tpu.memory_space<vmem>>, vector<1x16xf32>,
          %get3A_153 = arith.index_cast %scan3A_121 : i32 to index
          %get3A_154 = arith.constant 32 : index
          %get3A_155 = tpu.vector_load %arg9[%get3A_153, %get3A_154] {strides = array<i32>} : memref<128x128xf32, #tpu.memory_space<vmem>>, vector<1x16xf32>,
          %get3A_156 = vector.shape_cast %get3A_155 : vector<1x16xf32> to vector<16xf32>
          %get3A_157 = arith.index_cast %scan3A_121 : i32 to index
          %get3A_158 = arith.constant 32 : index
          %get3A_159 = tpu.vector_load %arg10[%get3A_157, %get3A_158] {strides = array<i32>} : memref<128x128xf32, #tpu.memory_space<vmem>>, vector<1x16xf32>,
          %get3A_160 = vector.shape_cast %get3A_159 : vector<1x16xf32> to vector<16xf32>
          %add3A_161 = arith.addf %get3A_156, %get3A_160 : vector<16xf32>
          %max3A_162 = arith.constant 0.000000e+00 : f32
          %max3A_163 = vector.broadcast %max3A_162 : f32 to vector<16xf32>
          %max3A_164 = arith.maximumf %add3A_161, %max3A_163 : vector<16xf32>
          %swap3A_165 = arith.index_cast %scan3A_121 : i32 to index
          %swap3A_166 = arith.constant 32 : index
          %swap3A_167 = tpu.vector_load %arg9[%swap3A_165, %swap3A_166] {strides = array<i32>} : memref<128x128xf32, #tpu.memory_space<vmem>>, vector<1x16xf32>,
          %swap3A_168 = vector.shape_cast %swap3A_167 : vector<1x16xf32> to vector<16xf32>
          %swap3A_169 = vector.shape_cast %max3A_164 : vector<16xf32> to vector<1x16xf32>
          tpu.vector_store %arg9[%swap3A_165, %swap3A_166], %swap3A_169 {strides = array<i32>} : memref<128x128xf32, #tpu.memory_space<vmem>>, vector<1x16xf32>,
          %get3A_170 = arith.index_cast %scan3A_121 : i32 to index
          %get3A_171 = arith.constant 48 : index
          %get3A_172 = tpu.vector_load %arg9[%get3A_170, %get3A_171] {strides = array<i32>} : memref<128x128xf32, #tpu.memory_space<vmem>>, vector<1x16xf32>,
          %get3A_173 = vector.shape_cast %get3A_172 : vector<1x16xf32> to vector<16xf32>
          %get3A_174 = arith.index_cast %scan3A_121 : i32 to index
          %get3A_175 = arith.constant 48 : index
          %get3A_176 = tpu.vector_load %arg10[%get3A_174, %get3A_175] {strides = array<i32>} : memref<128x128xf32, #tpu.memory_space<vmem>>, vector<1x16xf32>,
          %get3A_177 = vector.shape_cast %get3A_176 : vector<1x16xf32> to vector<16xf32>
          %add3A_178 = arith.addf %get3A_173, %get3A_177 : vector<16xf32>
          %max3A_179 = arith.constant 0.000000e+00 : f32
          %max3A_180 = vector.broadcast %max3A_179 : f32 to vector<16xf32>
          %max3A_181 = arith.maximumf %add3A_178, %max3A_180 : vector<16xf32>
          %swap3A_182 = arith.index_cast %scan3A_121 : i32 to index
          %swap3A_183 = arith.constant 48 : index
          %swap3A_184 = tpu.vector_load %arg9[%swap3A_182, %swap3A_183] {strides = array<i32>} : memref<128x128xf32, #tpu.memory_space<vmem>>, vector<1x16xf32>,
          %swap3A_185 = vector.shape_cast %swap3A_184 : vector<1x16xf32> to vector<16xf32>
          %swap3A_186 = vector.shape_cast %max3A_181 : vector<16xf32> to vector<1x16xf32>
          tpu.vector_store %arg9[%swap3A_182, %swap3A_183], %swap3A_186 {strides = array<i32>} : memref<128x128xf32, #tpu.memory_space<vmem>>, vector<1x16xf32>,
          %get3A_187 = arith.index_cast %scan3A_121 : i32 to index
          %get3A_188 = arith.constant 64 : index
          %get3A_189 = tpu.vector_load %arg9[%get3A_187, %get3A_188] {strides = array<i32>} : memref<128x128xf32, #tpu.memory_space<vmem>>, vector<1x16xf32>,
          %get3A_190 = vector.shape_cast %get3A_189 : vector<1x16xf32> to vector<16xf32>
          %get3A_191 = arith.index_cast %scan3A_121 : i32 to index
          %get3A_192 = arith.constant 64 : index
          %get3A_193 = tpu.vector_load %arg10[%get3A_191, %get3A_192] {strides = array<i32>} : memref<128x128xf32, #tpu.memory_space<vmem>>, vector<1x16xf32>,
          %get3A_194 = vector.shape_cast %get3A_193 : vector<1x16xf32> to vector<16xf32>
          %add3A_195 = arith.addf %get3A_190, %get3A_194 : vector<16xf32>
          %max3A_196 = arith.constant 0.000000e+00 : f32
          %max3A_197 = vector.broadcast %max3A_196 : f32 to vector<16xf32>
          %max3A_198 = arith.maximumf %add3A_195, %max3A_197 : vector<16xf32>
          %swap3A_199 = arith.index_cast %scan3A_121 : i32 to index
          %swap3A_200 = arith.constant 64 : index
          %swap3A_201 = tpu.vector_load %arg9[%swap3A_199, %swap3A_200] {strides = array<i32>} : memref<128x128xf32, #tpu.memory_space<vmem>>, vector<1x16xf32>,
          %swap3A_202 = vector.shape_cast %swap3A_201 : vector<1x16xf32> to vector<16xf32>
          %swap3A_203 = vector.shape_cast %max3A_198 : vector<16xf32> to vector<1x16xf32>
          tpu.vector_store %arg9[%swap3A_199, %swap3A_200], %swap3A_203 {strides = array<i32>} : memref<128x128xf32, #tpu.memory_space<vmem>>, vector<1x16xf32>,
          %get3A_204 = arith.index_cast %scan3A_121 : i32 to index
          %get3A_205 = arith.constant 80 : index
          %get3A_206 = tpu.vector_load %arg9[%get3A_204, %get3A_205] {strides = array<i32>} : memref<128x128xf32, #tpu.memory_space<vmem>>, vector<1x16xf32>,
          %get3A_207 = vector.shape_cast %get3A_206 : vector<1x16xf32> to vector<16xf32>
          %get3A_208 = arith.index_cast %scan3A_121 : i32 to index
          %get3A_209 = arith.constant 80 : index
          %get3A_210 = tpu.vector_load %arg10[%get3A_208, %get3A_209] {strides = array<i32>} : memref<128x128xf32, #tpu.memory_space<vmem>>, vector<1x16xf32>,
          %get3A_211 = vector.shape_cast %get3A_210 : vector<1x16xf32> to vector<16xf32>
          %add3A_212 = arith.addf %get3A_207, %get3A_211 : vector<16xf32>
          %max3A_213 = arith.constant 0.000000e+00 : f32
          %max3A_214 = vector.broadcast %max3A_213 : f32 to vector<16xf32>
          %max3A_215 = arith.maximumf %add3A_212, %max3A_214 : vector<16xf32>
          %swap3A_216 = arith.index_cast %scan3A_121 : i32 to index
          %swap3A_217 = arith.constant 80 : index
          %swap3A_218 = tpu.vector_load %arg9[%swap3A_216, %swap3A_217] {strides = array<i32>} : memref<128x128xf32, #tpu.memory_space<vmem>>, vector<1x16xf32>,
          %swap3A_219 = vector.shape_cast %swap3A_218 : vector<1x16xf32> to vector<16xf32>
          %swap3A_220 = vector.shape_cast %max3A_215 : vector<16xf32> to vector<1x16xf32>
          tpu.vector_store %arg9[%swap3A_216, %swap3A_217], %swap3A_220 {strides = array<i32>} : memref<128x128xf32, #tpu.memory_space<vmem>>, vector<1x16xf32>,
          %get3A_221 = arith.index_cast %scan3A_121 : i32 to index
          %get3A_222 = arith.constant 96 : index
          %get3A_223 = tpu.vector_load %arg9[%get3A_221, %get3A_222] {strides = array<i32>} : memref<128x128xf32, #tpu.memory_space<vmem>>, vector<1x16xf32>,
          %get3A_224 = vector.shape_cast %get3A_223 : vector<1x16xf32> to vector<16xf32>
          %get3A_225 = arith.index_cast %scan3A_121 : i32 to index
          %get3A_226 = arith.constant 96 : index
          %get3A_227 = tpu.vector_load %arg10[%get3A_225, %get3A_226] {strides = array<i32>} : memref<128x128xf32, #tpu.memory_space<vmem>>, vector<1x16xf32>,
          %get3A_228 = vector.shape_cast %get3A_227 : vector<1x16xf32> to vector<16xf32>
          %add3A_229 = arith.addf %get3A_224, %get3A_228 : vector<16xf32>
          %max3A_230 = arith.constant 0.000000e+00 : f32
          %max3A_231 = vector.broadcast %max3A_230 : f32 to vector<16xf32>
          %max3A_232 = arith.maximumf %add3A_229, %max3A_231 : vector<16xf32>
          %swap3A_233 = arith.index_cast %scan3A_121 : i32 to index
          %swap3A_234 = arith.constant 96 : index
          %swap3A_235 = tpu.vector_load %arg9[%swap3A_233, %swap3A_234] {strides = array<i32>} : memref<128x128xf32, #tpu.memory_space<vmem>>, vector<1x16xf32>,
          %swap3A_236 = vector.shape_cast %swap3A_235 : vector<1x16xf32> to vector<16xf32>
          %swap3A_237 = vector.shape_cast %max3A_232 : vector<16xf32> to vector<1x16xf32>
          tpu.vector_store %arg9[%swap3A_233, %swap3A_234], %swap3A_237 {strides = array<i32>} : memref<128x128xf32, #tpu.memory_space<vmem>>, vector<1x16xf32>,
          %get3A_238 = arith.index_cast %scan3A_121 : i32 to index
          %get3A_239 = arith.constant 112 : index
          %get3A_240 = tpu.vector_load %arg9[%get3A_238, %get3A_239] {strides = array<i32>} : memref<128x128xf32, #tpu.memory_space<vmem>>, vector<1x16xf32>,
          %get3A_241 = vector.shape_cast %get3A_240 : vector<1x16xf32> to vector<16xf32>
          %get3A_242 = arith.index_cast %scan3A_121 : i32 to index
          %get3A_243 = arith.constant 112 : index
          %get3A_244 = tpu.vector_load %arg10[%get3A_242, %get3A_243] {strides = array<i32>} : memref<128x128xf32, #tpu.memory_space<vmem>>, vector<1x16xf32>,
          %get3A_245 = vector.shape_cast %get3A_244 : vector<1x16xf32> to vector<16xf32>
          %add3A_246 = arith.addf %get3A_241, %get3A_245 : vector<16xf32>
          %max3A_247 = arith.constant 0.000000e+00 : f32
          %max3A_248 = vector.broadcast %max3A_247 : f32 to vector<16xf32>
          %max3A_249 = arith.maximumf %add3A_246, %max3A_248 : vector<16xf32>
          %swap3A_250 = arith.index_cast %scan3A_121 : i32 to index
          %swap3A_251 = arith.constant 112 : index
          %swap3A_252 = tpu.vector_load %arg9[%swap3A_250, %swap3A_251] {strides = array<i32>} : memref<128x128xf32, #tpu.memory_space<vmem>>, vector<1x16xf32>,
          %swap3A_253 = vector.shape_cast %swap3A_252 : vector<1x16xf32> to vector<16xf32>
          %swap3A_254 = vector.shape_cast %max3A_249 : vector<16xf32> to vector<1x16xf32>
          tpu.vector_store %arg9[%swap3A_250, %swap3A_251], %swap3A_254 {strides = array<i32>} : memref<128x128xf32, #tpu.memory_space<vmem>>, vector<1x16xf32>,
        }
        %scan3A_120 = arith.constant 128 : i32
        "tpu.region"() ({
          %run_scoped3A = tpu.sem_alloc : memref<!tpu.dma_semaphore, #tpu.memory_space<semaphore_mem>>
          %dma_start3A_121 = arith.constant 0 : i32
          %dma_start3A_122 = tpu.memref_slice %arg8[%scan3A_95, %dma_start3A_121] : memref<8x128xi32, #tpu.memory_space<vmem>> -> memref<1x128xi32, #tpu.memory_space<vmem>>
          %dma_start3A_123 = tpu.memref_squeeze %dma_start3A_122 : memref<1x128xi32, #tpu.memory_space<vmem>> -> memref<128xi32, #tpu.memory_space<vmem>>
          %dma_start3A_124 = arith.constant 0 : i32
          %dma_start3A_125 = arith.constant 0 : i32
          %dma_start3A_126 = tpu.memref_slice %arg11[%dma_start3A_124, %dma_start3A_125] : memref<10240x128xf32, #tpu.memory_space<vmem_shared>> -> memref<10240x128xf32, #tpu.memory_space<vmem_shared>>
          tpu.enqueue_indirect_dma source(%arg9 : memref<128x128xf32, #tpu.memory_space<vmem>>) target(%dma_start3A_126 : memref<10240x128xf32, #tpu.memory_space<vmem_shared>>) offsets(%dma_start3A_123 : memref<128xi32, #tpu.memory_space<vmem>>) semaphore(%run_scoped3A : memref<!tpu.dma_semaphore, #tpu.memory_space<semaphore_mem>>) {add = true}
          %dma_wait3A_127 = arith.constant 0 : i32
          %dma_wait3A_128 = tpu.memref_slice %arg8[%scan3A_95, %dma_wait3A_127] : memref<8x128xi32, #tpu.memory_space<vmem>> -> memref<1x128xi32, #tpu.memory_space<vmem>>
          %dma_wait3A_129 = tpu.memref_squeeze %dma_wait3A_128 : memref<1x128xi32, #tpu.memory_space<vmem>> -> memref<128xi32, #tpu.memory_space<vmem>>
          %dma_wait3A_130 = arith.constant 0 : i32
          %dma_wait3A_131 = arith.constant 0 : i32
          %dma_wait3A_132 = tpu.memref_slice %arg11[%dma_wait3A_130, %dma_wait3A_131] : memref<10240x128xf32, #tpu.memory_space<vmem_shared>> -> memref<10240x128xf32, #tpu.memory_space<vmem_shared>>
          tpu.wait_indirect_dma semaphore(%run_scoped3A : memref<!tpu.dma_semaphore, #tpu.memory_space<semaphore_mem>>) src(%arg9 : memref<128x128xf32, #tpu.memory_space<vmem>>) dst(%dma_wait3A_132 : memref<10240x128xf32, #tpu.memory_space<vmem_shared>>)
          tpu.yield
        }) : () -> ()
      }
      %scan3A_94 = arith.constant 8 : i32
    }
    %scan3A_35 = arith.constant 5 : i32
    %barrier3A_36 = arith.constant 0 : index
    tpu.barrier barrier_id(%barrier3A_36)
    %mul3A_37 = arith.constant 640 : i32
    %mul3A_38 = arith.muli %arg1, %mul3A_37 : i32
    %add3A_39 = arith.constant 0 : i32
    %add3A_40 = arith.addi %mul3A_38, %add3A_39 : i32
    %multiple_of3A_41 = tpu.assume_multiple %add3A_40, 8 : i32
    %mul3A_42 = arith.constant 10240 : i32
    %mul3A_43 = arith.muli %arg0, %mul3A_42 : i32
    %multiple_of3A_44 = tpu.assume_multiple %mul3A_43, 8 : i32
    %add3A_45 = arith.addi %multiple_of3A_44, %multiple_of3A_41 : i32
    "tpu.region"() ({
      %run_scoped3A = tpu.sem_alloc : memref<!tpu.dma_semaphore, #tpu.memory_space<semaphore_mem>>
      %dma_start3A = arith.constant 0 : i32
      %dma_start3A_82 = tpu.memref_slice %arg6[%add3A_45, %dma_start3A] : memref<20480x128xf32, #tpu.memory_space<hbm>> -> memref<128x128xf32, #tpu.memory_space<hbm>>
      %dma_start3A_83 = arith.constant 0 : i32
      %dma_start3A_84 = tpu.memref_slice %arg11[%multiple_of3A_41, %dma_start3A_83] : memref<10240x128xf32, #tpu.memory_space<vmem_shared>> -> memref<128x128xf32, #tpu.memory_space<vmem_shared>>
      tpu.enqueue_dma source(%dma_start3A_84 : memref<128x128xf32, #tpu.memory_space<vmem_shared>>) target(%dma_start3A_82 : memref<128x128xf32, #tpu.memory_space<hbm>>) target_semaphore(%run_scoped3A : memref<!tpu.dma_semaphore, #tpu.memory_space<semaphore_mem>>)
      %dma_wait3A = arith.constant 0 : i32
      %dma_wait3A_85 = tpu.memref_slice %arg6[%add3A_45, %dma_wait3A] : memref<20480x128xf32, #tpu.memory_space<hbm>> -> memref<128x128xf32, #tpu.memory_space<hbm>>
      %dma_wait3A_86 = arith.constant 0 : i32
      %dma_wait3A_87 = tpu.memref_slice %arg11[%multiple_of3A_41, %dma_wait3A_86] : memref<10240x128xf32, #tpu.memory_space<vmem_shared>> -> memref<128x128xf32, #tpu.memory_space<vmem_shared>>
      tpu.wait_dma2 semaphore(%run_scoped3A : memref<!tpu.dma_semaphore, #tpu.memory_space<semaphore_mem>>) src(%dma_wait3A_87 : memref<128x128xf32, #tpu.memory_space<vmem_shared>>) dst(%dma_wait3A_85 : memref<128x128xf32, #tpu.memory_space<hbm>>)
      tpu.yield
    }) : () -> ()
    %mul3A_46 = arith.constant 640 : i32
    %mul3A_47 = arith.muli %arg1, %mul3A_46 : i32
    %add3A_48 = arith.constant 128 : i32
    %add3A_49 = arith.addi %mul3A_47, %add3A_48 : i32
    %multiple_of3A_50 = tpu.assume_multiple %add3A_49, 8 : i32
    %mul3A_51 = arith.constant 10240 : i32
    %mul3A_52 = arith.muli %arg0, %mul3A_51 : i32
    %multiple_of3A_53 = tpu.assume_multiple %mul3A_52, 8 : i32
    %add3A_54 = arith.addi %multiple_of3A_53, %multiple_of3A_50 : i32
    "tpu.region"() ({
      %run_scoped3A = tpu.sem_alloc : memref<!tpu.dma_semaphore, #tpu.memory_space<semaphore_mem>>
      %dma_start3A = arith.constant 0 : i32
      %dma_start3A_82 = tpu.memref_slice %arg6[%add3A_54, %dma_start3A] : memref<20480x128xf32, #tpu.memory_space<hbm>> -> memref<128x128xf32, #tpu.memory_space<hbm>>
      %dma_start3A_83 = arith.constant 0 : i32
      %dma_start3A_84 = tpu.memref_slice %arg11[%multiple_of3A_50, %dma_start3A_83] : memref<10240x128xf32, #tpu.memory_space<vmem_shared>> -> memref<128x128xf32, #tpu.memory_space<vmem_shared>>
      tpu.enqueue_dma source(%dma_start3A_84 : memref<128x128xf32, #tpu.memory_space<vmem_shared>>) target(%dma_start3A_82 : memref<128x128xf32, #tpu.memory_space<hbm>>) target_semaphore(%run_scoped3A : memref<!tpu.dma_semaphore, #tpu.memory_space<semaphore_mem>>)
      %dma_wait3A = arith.constant 0 : i32
      %dma_wait3A_85 = tpu.memref_slice %arg6[%add3A_54, %dma_wait3A] : memref<20480x128xf32, #tpu.memory_space<hbm>> -> memref<128x128xf32, #tpu.memory_space<hbm>>
      %dma_wait3A_86 = arith.constant 0 : i32
      %dma_wait3A_87 = tpu.memref_slice %arg11[%multiple_of3A_50, %dma_wait3A_86] : memref<10240x128xf32, #tpu.memory_space<vmem_shared>> -> memref<128x128xf32, #tpu.memory_space<vmem_shared>>
      tpu.wait_dma2 semaphore(%run_scoped3A : memref<!tpu.dma_semaphore, #tpu.memory_space<semaphore_mem>>) src(%dma_wait3A_87 : memref<128x128xf32, #tpu.memory_space<vmem_shared>>) dst(%dma_wait3A_85 : memref<128x128xf32, #tpu.memory_space<hbm>>)
      tpu.yield
    }) : () -> ()
    %mul3A_55 = arith.constant 640 : i32
    %mul3A_56 = arith.muli %arg1, %mul3A_55 : i32
    %add3A_57 = arith.constant 256 : i32
    %add3A_58 = arith.addi %mul3A_56, %add3A_57 : i32
    %multiple_of3A_59 = tpu.assume_multiple %add3A_58, 8 : i32
    %mul3A_60 = arith.constant 10240 : i32
    %mul3A_61 = arith.muli %arg0, %mul3A_60 : i32
    %multiple_of3A_62 = tpu.assume_multiple %mul3A_61, 8 : i32
    %add3A_63 = arith.addi %multiple_of3A_62, %multiple_of3A_59 : i32
    "tpu.region"() ({
      %run_scoped3A = tpu.sem_alloc : memref<!tpu.dma_semaphore, #tpu.memory_space<semaphore_mem>>
      %dma_start3A = arith.constant 0 : i32
      %dma_start3A_82 = tpu.memref_slice %arg6[%add3A_63, %dma_start3A] : memref<20480x128xf32, #tpu.memory_space<hbm>> -> memref<128x128xf32, #tpu.memory_space<hbm>>
      %dma_start3A_83 = arith.constant 0 : i32
      %dma_start3A_84 = tpu.memref_slice %arg11[%multiple_of3A_59, %dma_start3A_83] : memref<10240x128xf32, #tpu.memory_space<vmem_shared>> -> memref<128x128xf32, #tpu.memory_space<vmem_shared>>
      tpu.enqueue_dma source(%dma_start3A_84 : memref<128x128xf32, #tpu.memory_space<vmem_shared>>) target(%dma_start3A_82 : memref<128x128xf32, #tpu.memory_space<hbm>>) target_semaphore(%run_scoped3A : memref<!tpu.dma_semaphore, #tpu.memory_space<semaphore_mem>>)
      %dma_wait3A = arith.constant 0 : i32
      %dma_wait3A_85 = tpu.memref_slice %arg6[%add3A_63, %dma_wait3A] : memref<20480x128xf32, #tpu.memory_space<hbm>> -> memref<128x128xf32, #tpu.memory_space<hbm>>
      %dma_wait3A_86 = arith.constant 0 : i32
      %dma_wait3A_87 = tpu.memref_slice %arg11[%multiple_of3A_59, %dma_wait3A_86] : memref<10240x128xf32, #tpu.memory_space<vmem_shared>> -> memref<128x128xf32, #tpu.memory_space<vmem_shared>>
      tpu.wait_dma2 semaphore(%run_scoped3A : memref<!tpu.dma_semaphore, #tpu.memory_space<semaphore_mem>>) src(%dma_wait3A_87 : memref<128x128xf32, #tpu.memory_space<vmem_shared>>) dst(%dma_wait3A_85 : memref<128x128xf32, #tpu.memory_space<hbm>>)
      tpu.yield
    }) : () -> ()
    %mul3A_64 = arith.constant 640 : i32
    %mul3A_65 = arith.muli %arg1, %mul3A_64 : i32
    %add3A_66 = arith.constant 384 : i32
    %add3A_67 = arith.addi %mul3A_65, %add3A_66 : i32
    %multiple_of3A_68 = tpu.assume_multiple %add3A_67, 8 : i32
    %mul3A_69 = arith.constant 10240 : i32
    %mul3A_70 = arith.muli %arg0, %mul3A_69 : i32
    %multiple_of3A_71 = tpu.assume_multiple %mul3A_70, 8 : i32
    %add3A_72 = arith.addi %multiple_of3A_71, %multiple_of3A_68 : i32
    "tpu.region"() ({
      %run_scoped3A = tpu.sem_alloc : memref<!tpu.dma_semaphore, #tpu.memory_space<semaphore_mem>>
      %dma_start3A = arith.constant 0 : i32
      %dma_start3A_82 = tpu.memref_slice %arg6[%add3A_72, %dma_start3A] : memref<20480x128xf32, #tpu.memory_space<hbm>> -> memref<128x128xf32, #tpu.memory_space<hbm>>
      %dma_start3A_83 = arith.constant 0 : i32
      %dma_start3A_84 = tpu.memref_slice %arg11[%multiple_of3A_68, %dma_start3A_83] : memref<10240x128xf32, #tpu.memory_space<vmem_shared>> -> memref<128x128xf32, #tpu.memory_space<vmem_shared>>
      tpu.enqueue_dma source(%dma_start3A_84 : memref<128x128xf32, #tpu.memory_space<vmem_shared>>) target(%dma_start3A_82 : memref<128x128xf32, #tpu.memory_space<hbm>>) target_semaphore(%run_scoped3A : memref<!tpu.dma_semaphore, #tpu.memory_space<semaphore_mem>>)
      %dma_wait3A = arith.constant 0 : i32
      %dma_wait3A_85 = tpu.memref_slice %arg6[%add3A_72, %dma_wait3A] : memref<20480x128xf32, #tpu.memory_space<hbm>> -> memref<128x128xf32, #tpu.memory_space<hbm>>
      %dma_wait3A_86 = arith.constant 0 : i32
      %dma_wait3A_87 = tpu.memref_slice %arg11[%multiple_of3A_68, %dma_wait3A_86] : memref<10240x128xf32, #tpu.memory_space<vmem_shared>> -> memref<128x128xf32, #tpu.memory_space<vmem_shared>>
      tpu.wait_dma2 semaphore(%run_scoped3A : memref<!tpu.dma_semaphore, #tpu.memory_space<semaphore_mem>>) src(%dma_wait3A_87 : memref<128x128xf32, #tpu.memory_space<vmem_shared>>) dst(%dma_wait3A_85 : memref<128x128xf32, #tpu.memory_space<hbm>>)
      tpu.yield
    }) : () -> ()
    %mul3A_73 = arith.constant 640 : i32
    %mul3A_74 = arith.muli %arg1, %mul3A_73 : i32
    %add3A_75 = arith.constant 512 : i32
    %add3A_76 = arith.addi %mul3A_74, %add3A_75 : i32
    %multiple_of3A_77 = tpu.assume_multiple %add3A_76, 8 : i32
    %mul3A_78 = arith.constant 10240 : i32
    %mul3A_79 = arith.muli %arg0, %mul3A_78 : i32
    %multiple_of3A_80 = tpu.assume_multiple %mul3A_79, 8 : i32
    %add3A_81 = arith.addi %multiple_of3A_80, %multiple_of3A_77 : i32
    "tpu.region"() ({
      %run_scoped3A = tpu.sem_alloc : memref<!tpu.dma_semaphore, #tpu.memory_space<semaphore_mem>>
      %dma_start3A = arith.constant 0 : i32
      %dma_start3A_82 = tpu.memref_slice %arg6[%add3A_81, %dma_start3A] : memref<20480x128xf32, #tpu.memory_space<hbm>> -> memref<128x128xf32, #tpu.memory_space<hbm>>
      %dma_start3A_83 = arith.constant 0 : i32
      %dma_start3A_84 = tpu.memref_slice %arg11[%multiple_of3A_77, %dma_start3A_83] : memref<10240x128xf32, #tpu.memory_space<vmem_shared>> -> memref<128x128xf32, #tpu.memory_space<vmem_shared>>
      tpu.enqueue_dma source(%dma_start3A_84 : memref<128x128xf32, #tpu.memory_space<vmem_shared>>) target(%dma_start3A_82 : memref<128x128xf32, #tpu.memory_space<hbm>>) target_semaphore(%run_scoped3A : memref<!tpu.dma_semaphore, #tpu.memory_space<semaphore_mem>>)
      %dma_wait3A = arith.constant 0 : i32
      %dma_wait3A_85 = tpu.memref_slice %arg6[%add3A_81, %dma_wait3A] : memref<20480x128xf32, #tpu.memory_space<hbm>> -> memref<128x128xf32, #tpu.memory_space<hbm>>
      %dma_wait3A_86 = arith.constant 0 : i32
      %dma_wait3A_87 = tpu.memref_slice %arg11[%multiple_of3A_77, %dma_wait3A_86] : memref<10240x128xf32, #tpu.memory_space<vmem_shared>> -> memref<128x128xf32, #tpu.memory_space<vmem_shared>>
      tpu.wait_dma2 semaphore(%run_scoped3A : memref<!tpu.dma_semaphore, #tpu.memory_space<semaphore_mem>>) src(%dma_wait3A_87 : memref<128x128xf32, #tpu.memory_space<vmem_shared>>) dst(%dma_wait3A_85 : memref<128x128xf32, #tpu.memory_space<hbm>>)
      tpu.yield
    }) : () -> ()
    return
  }
}

module attributes {stable_mosaic.version = 14 : i64} {
  func.func @_edge_mm_body(%arg0: i32, %arg1: memref<4096x16xf32, #tpu.memory_space<vmem>>, %arg2: memref<16x128xf32, #tpu.memory_space<vmem>>, %arg3: memref<1x128xf32, #tpu.memory_space<vmem>>, %arg4: memref<4096x128xf32, #tpu.memory_space<vmem>>) attributes {dimension_semantics = [#tpu.dimension_semantics<arbitrary>], iteration_bounds = array<i64: 40>, scalar_prefetch = 0 : i64, scratch_operands = 0 : i64, tpu.core_type = #tpu.core_type<tc>, window_params = [{transform_indices = @transform_0, window_bounds = array<i64: 4096, 16>}, {pipeline_mode = #tpu.pipeline_mode<synchronous>, transform_indices = @transform_1, window_bounds = array<i64: 16, 128>}, {pipeline_mode = #tpu.pipeline_mode<synchronous>, transform_indices = @transform_2, window_bounds = array<i64: 1, 128>}, {transform_indices = @transform_3, window_bounds = array<i64: 4096, 128>}]} {
    %get3A = arith.constant 0 : index
    %get3A_0 = arith.constant 0 : index
    %get3A_1 = vector.load %arg1[%get3A, %get3A_0] : memref<4096x16xf32, #tpu.memory_space<vmem>>, vector<4096x16xf32>
    %get3A_2 = arith.constant 0 : index
    %get3A_3 = arith.constant 0 : index
    %get3A_4 = vector.load %arg2[%get3A_2, %get3A_3] : memref<16x128xf32, #tpu.memory_space<vmem>>, vector<16x128xf32>
    %dot_general3A = arith.constant dense<0.000000e+00> : vector<4096x128xf32>
    %dot_general3A_5 = tpu.matmul %get3A_1, %get3A_4, %dot_general3A {dimension_numbers = #tpu.dot_dimension_numbers<[1], [0], [0], [1], [0, 0, 1, 1], [], []>, transpose_lhs_hint = false} : vector<4096x16xf32>, vector<16x128xf32>, vector<4096x128xf32> -> vector<4096x128xf32>
    %get3A_6 = arith.constant 0 : index
    %get3A_7 = arith.constant 0 : index
    %get3A_8 = vector.load %arg3[%get3A_6, %get3A_7] : memref<1x128xf32, #tpu.memory_space<vmem>>, vector<1x128xf32>
    %add3A = vector.broadcast %get3A_8 : vector<1x128xf32> to vector<4096x128xf32>
    %add3A_9 = arith.addf %dot_general3A_5, %add3A : vector<4096x128xf32>
    %swap3A = arith.constant 0 : index
    %swap3A_10 = arith.constant 0 : index
    %swap3A_11 = vector.load %arg4[%swap3A, %swap3A_10] : memref<4096x128xf32, #tpu.memory_space<vmem>>, vector<4096x128xf32>
    tpu.vector_store %arg4[%swap3A, %swap3A_10], %add3A_9 {strides = array<i32>} : memref<4096x128xf32, #tpu.memory_space<vmem>>, vector<4096x128xf32>,
    return
  }
  func.func @transform_0(%arg0: i32) -> (i32, i32) {
    %c0_i32 = arith.constant 0 : i32
    %c0_i32_0 = arith.constant 0 : i32
    return %arg0, %c0_i32 : i32, i32
  }
  func.func @transform_1(%arg0: i32) -> (i32, i32) {
    %c0_i32 = arith.constant 0 : i32
    %c0_i32_0 = arith.constant 0 : i32
    %c0_i32_1 = arith.constant 0 : i32
    return %c0_i32, %c0_i32_0 : i32, i32
  }
  func.func @transform_2(%arg0: i32) -> (i32, i32) {
    %c0_i32 = arith.constant 0 : i32
    %c0_i32_0 = arith.constant 0 : i32
    %c0_i32_1 = arith.constant 0 : i32
    return %c0_i32, %c0_i32_0 : i32, i32
  }
  func.func @transform_3(%arg0: i32) -> (i32, i32) {
    %c0_i32 = arith.constant 0 : i32
    %c0_i32_0 = arith.constant 0 : i32
    return %arg0, %c0_i32 : i32, i32
  }
}

module attributes {stable_mosaic.version = 14 : i64} {
  func.func @_mlp_body(%arg0: i32, %arg1: memref<2000x128xf32, #tpu.memory_space<vmem>>, %arg2: memref<1x2000x128xf32, #tpu.memory_space<vmem>>, %arg3: memref<1x2000x128xf32, #tpu.memory_space<vmem>>, %arg4: memref<1x2000x128xf32, #tpu.memory_space<vmem>>, %arg5: memref<1x2000x128xf32, #tpu.memory_space<vmem>>, %arg6: memref<128x128xf32, #tpu.memory_space<vmem>>, %arg7: memref<1x128xf32, #tpu.memory_space<vmem>>, %arg8: memref<128x128xf32, #tpu.memory_space<vmem>>, %arg9: memref<1x128xf32, #tpu.memory_space<vmem>>, %arg10: memref<1x128xf32, #tpu.memory_space<vmem>>, %arg11: memref<1x128xf32, #tpu.memory_space<vmem>>, %arg12: memref<2000x128xf32, #tpu.memory_space<vmem>>) attributes {dimension_semantics = [#tpu.dimension_semantics<arbitrary>], iteration_bounds = array<i64: 5>, scalar_prefetch = 0 : i64, scratch_operands = 0 : i64, tpu.core_type = #tpu.core_type<tc>, window_params = [{transform_indices = @transform_0, window_bounds = array<i64: 2000, 128>}, {transform_indices = @transform_1, window_bounds = array<i64: 1, 2000, 128>}, {transform_indices = @transform_2, window_bounds = array<i64: 1, 2000, 128>}, {transform_indices = @transform_3, window_bounds = array<i64: 1, 2000, 128>}, {transform_indices = @transform_4, window_bounds = array<i64: 1, 2000, 128>}, {pipeline_mode = #tpu.pipeline_mode<synchronous>, transform_indices = @transform_5, window_bounds = array<i64: 128, 128>}, {pipeline_mode = #tpu.pipeline_mode<synchronous>, transform_indices = @transform_6, window_bounds = array<i64: 1, 128>}, {pipeline_mode = #tpu.pipeline_mode<synchronous>, transform_indices = @transform_7, window_bounds = array<i64: 128, 128>}, {pipeline_mode = #tpu.pipeline_mode<synchronous>, transform_indices = @transform_8, window_bounds = array<i64: 1, 128>}, {pipeline_mode = #tpu.pipeline_mode<synchronous>, transform_indices = @transform_9, window_bounds = array<i64: 1, 128>}, {pipeline_mode = #tpu.pipeline_mode<synchronous>, transform_indices = @transform_10, window_bounds = array<i64: 1, 128>}, {transform_indices = @transform_11, window_bounds = array<i64: 2000, 128>}]} {
    %get3A = arith.constant 0 : index
    %get3A_0 = arith.constant 0 : index
    %get3A_1 = vector.load %arg1[%get3A, %get3A_0] : memref<2000x128xf32, #tpu.memory_space<vmem>>, vector<2000x128xf32>
    %get3A_2 = arith.constant 0 : index
    %get3A_3 = arith.constant 0 : index
    %get3A_4 = arith.constant 0 : index
    %get3A_5 = vector.load %arg2[%get3A_2, %get3A_3, %get3A_4] : memref<1x2000x128xf32, #tpu.memory_space<vmem>>, vector<1x2000x128xf32>
    %get3A_6 = vector.shape_cast %get3A_5 : vector<1x2000x128xf32> to vector<2000x128xf32>
    %add3A = arith.addf %get3A_1, %get3A_6 : vector<2000x128xf32>
    %get3A_7 = arith.constant 0 : index
    %get3A_8 = arith.constant 0 : index
    %get3A_9 = arith.constant 0 : index
    %get3A_10 = vector.load %arg3[%get3A_7, %get3A_8, %get3A_9] : memref<1x2000x128xf32, #tpu.memory_space<vmem>>, vector<1x2000x128xf32>
    %get3A_11 = vector.shape_cast %get3A_10 : vector<1x2000x128xf32> to vector<2000x128xf32>
    %add3A_12 = arith.addf %add3A, %get3A_11 : vector<2000x128xf32>
    %get3A_13 = arith.constant 0 : index
    %get3A_14 = arith.constant 0 : index
    %get3A_15 = arith.constant 0 : index
    %get3A_16 = vector.load %arg4[%get3A_13, %get3A_14, %get3A_15] : memref<1x2000x128xf32, #tpu.memory_space<vmem>>, vector<1x2000x128xf32>
    %get3A_17 = vector.shape_cast %get3A_16 : vector<1x2000x128xf32> to vector<2000x128xf32>
    %add3A_18 = arith.addf %add3A_12, %get3A_17 : vector<2000x128xf32>
    %get3A_19 = arith.constant 0 : index
    %get3A_20 = arith.constant 0 : index
    %get3A_21 = arith.constant 0 : index
    %get3A_22 = vector.load %arg5[%get3A_19, %get3A_20, %get3A_21] : memref<1x2000x128xf32, #tpu.memory_space<vmem>>, vector<1x2000x128xf32>
    %get3A_23 = vector.shape_cast %get3A_22 : vector<1x2000x128xf32> to vector<2000x128xf32>
    %add3A_24 = arith.addf %add3A_18, %get3A_23 : vector<2000x128xf32>
    %get3A_25 = arith.constant 0 : index
    %get3A_26 = arith.constant 0 : index
    %get3A_27 = vector.load %arg6[%get3A_25, %get3A_26] : memref<128x128xf32, #tpu.memory_space<vmem>>, vector<128x128xf32>
    %dot_general3A = arith.constant dense<0.000000e+00> : vector<2000x128xf32>
    %dot_general3A_28 = tpu.matmul %add3A_24, %get3A_27, %dot_general3A {dimension_numbers = #tpu.dot_dimension_numbers<[1], [0], [0], [1], [0, 0, 1, 1], [], []>, transpose_lhs_hint = false} : vector<2000x128xf32>, vector<128x128xf32>, vector<2000x128xf32> -> vector<2000x128xf32>
    %get3A_29 = arith.constant 0 : index
    %get3A_30 = arith.constant 0 : index
    %get3A_31 = vector.load %arg7[%get3A_29, %get3A_30] : memref<1x128xf32, #tpu.memory_space<vmem>>, vector<1x128xf32>
    %add3A_32 = vector.broadcast %get3A_31 : vector<1x128xf32> to vector<2000x128xf32>
    %add3A_33 = arith.addf %dot_general3A_28, %add3A_32 : vector<2000x128xf32>
    %max3A = arith.constant 0.000000e+00 : f32
    %max3A_34 = vector.broadcast %max3A : f32 to vector<2000x128xf32>
    %max3A_35 = arith.maximumf %add3A_33, %max3A_34 : vector<2000x128xf32>
    %get3A_36 = arith.constant 0 : index
    %get3A_37 = arith.constant 0 : index
    %get3A_38 = vector.load %arg8[%get3A_36, %get3A_37] : memref<128x128xf32, #tpu.memory_space<vmem>>, vector<128x128xf32>
    %dot_general3A_39 = arith.constant dense<0.000000e+00> : vector<2000x128xf32>
    %dot_general3A_40 = tpu.matmul %max3A_35, %get3A_38, %dot_general3A_39 {dimension_numbers = #tpu.dot_dimension_numbers<[1], [0], [0], [1], [0, 0, 1, 1], [], []>, transpose_lhs_hint = false} : vector<2000x128xf32>, vector<128x128xf32>, vector<2000x128xf32> -> vector<2000x128xf32>
    %get3A_41 = arith.constant 0 : index
    %get3A_42 = arith.constant 0 : index
    %get3A_43 = vector.load %arg9[%get3A_41, %get3A_42] : memref<1x128xf32, #tpu.memory_space<vmem>>, vector<1x128xf32>
    %add3A_44 = vector.broadcast %get3A_43 : vector<1x128xf32> to vector<2000x128xf32>
    %add3A_45 = arith.addf %dot_general3A_40, %add3A_44 : vector<2000x128xf32>
    %reduce_sum3A = arith.constant dense<0.000000e+00> : vector<2000xf32>
    %reduce_sum3A_46 = vector.multi_reduction <add>, %add3A_45, %reduce_sum3A [1] : vector<2000x128xf32> to vector<2000xf32>
    %broadcast_in_dim3A = vector.shape_cast %reduce_sum3A_46 : vector<2000xf32> to vector<2000x1xf32>
    %div3A = arith.constant 1.280000e+02 : f32
    %div3A_47 = vector.broadcast %div3A : f32 to vector<2000x1xf32>
    %div3A_48 = arith.divf %broadcast_in_dim3A, %div3A_47 : vector<2000x1xf32>
    %sub3A = vector.broadcast %div3A_48 : vector<2000x1xf32> to vector<2000x128xf32>
    %sub3A_49 = arith.subf %add3A_45, %sub3A : vector<2000x128xf32>
    %integer_pow3A = arith.mulf %sub3A_49, %sub3A_49 : vector<2000x128xf32>
    %reduce_sum3A_50 = arith.constant dense<0.000000e+00> : vector<2000xf32>
    %reduce_sum3A_51 = vector.multi_reduction <add>, %integer_pow3A, %reduce_sum3A_50 [1] : vector<2000x128xf32> to vector<2000xf32>
    %broadcast_in_dim3A_52 = vector.shape_cast %reduce_sum3A_51 : vector<2000xf32> to vector<2000x1xf32>
    %div3A_53 = arith.constant 1.280000e+02 : f32
    %div3A_54 = vector.broadcast %div3A_53 : f32 to vector<2000x1xf32>
    %div3A_55 = arith.divf %broadcast_in_dim3A_52, %div3A_54 : vector<2000x1xf32>
    %sub3A_56 = vector.broadcast %div3A_48 : vector<2000x1xf32> to vector<2000x128xf32>
    %sub3A_57 = arith.subf %add3A_45, %sub3A_56 : vector<2000x128xf32>
    %add3A_58 = arith.constant 9.99999974E-6 : f32
    %add3A_59 = vector.broadcast %add3A_58 : f32 to vector<2000x1xf32>
    %add3A_60 = arith.addf %div3A_55, %add3A_59 : vector<2000x1xf32>
    %rsqrt3A = math.rsqrt %add3A_60 : vector<2000x1xf32>
    %mul3A = vector.broadcast %rsqrt3A : vector<2000x1xf32> to vector<2000x128xf32>
    %mul3A_61 = arith.mulf %sub3A_57, %mul3A : vector<2000x128xf32>
    %get3A_62 = arith.constant 0 : index
    %get3A_63 = arith.constant 0 : index
    %get3A_64 = vector.load %arg10[%get3A_62, %get3A_63] : memref<1x128xf32, #tpu.memory_space<vmem>>, vector<1x128xf32>
    %mul3A_65 = vector.broadcast %get3A_64 : vector<1x128xf32> to vector<2000x128xf32>
    %mul3A_66 = arith.mulf %mul3A_61, %mul3A_65 : vector<2000x128xf32>
    %get3A_67 = arith.constant 0 : index
    %get3A_68 = arith.constant 0 : index
    %get3A_69 = vector.load %arg11[%get3A_67, %get3A_68] : memref<1x128xf32, #tpu.memory_space<vmem>>, vector<1x128xf32>
    %add3A_70 = vector.broadcast %get3A_69 : vector<1x128xf32> to vector<2000x128xf32>
    %add3A_71 = arith.addf %mul3A_66, %add3A_70 : vector<2000x128xf32>
    %max3A_72 = arith.constant 0.000000e+00 : f32
    %max3A_73 = vector.broadcast %max3A_72 : f32 to vector<2000x128xf32>
    %max3A_74 = arith.maximumf %add3A_71, %max3A_73 : vector<2000x128xf32>
    %swap3A = arith.constant 0 : index
    %swap3A_75 = arith.constant 0 : index
    %swap3A_76 = vector.load %arg12[%swap3A, %swap3A_75] : memref<2000x128xf32, #tpu.memory_space<vmem>>, vector<2000x128xf32>
    tpu.vector_store %arg12[%swap3A, %swap3A_75], %max3A_74 {strides = array<i32>} : memref<2000x128xf32, #tpu.memory_space<vmem>>, vector<2000x128xf32>,
    return
  }
  func.func @transform_0(%arg0: i32) -> (i32, i32) {
    %c0_i32 = arith.constant 0 : i32
    %c0_i32_0 = arith.constant 0 : i32
    return %arg0, %c0_i32 : i32, i32
  }
  func.func @transform_1(%arg0: i32) -> (i32, i32, i32) {
    %c0_i32 = arith.constant 0 : i32
    %c0_i32_0 = arith.constant 0 : i32
    %c0_i32_1 = arith.constant 0 : i32
    return %c0_i32, %arg0, %c0_i32_0 : i32, i32, i32
  }
  func.func @transform_2(%arg0: i32) -> (i32, i32, i32) {
    %c1_i32 = arith.constant 1 : i32
    %c0_i32 = arith.constant 0 : i32
    %c0_i32_0 = arith.constant 0 : i32
    return %c1_i32, %arg0, %c0_i32 : i32, i32, i32
  }
  func.func @transform_3(%arg0: i32) -> (i32, i32, i32) {
    %c0_i32 = arith.constant 0 : i32
    %c0_i32_0 = arith.constant 0 : i32
    %c0_i32_1 = arith.constant 0 : i32
    return %c0_i32, %arg0, %c0_i32_0 : i32, i32, i32
  }
  func.func @transform_4(%arg0: i32) -> (i32, i32, i32) {
    %c1_i32 = arith.constant 1 : i32
    %c0_i32 = arith.constant 0 : i32
    %c0_i32_0 = arith.constant 0 : i32
    return %c1_i32, %arg0, %c0_i32 : i32, i32, i32
  }
  func.func @transform_5(%arg0: i32) -> (i32, i32) {
    %c0_i32 = arith.constant 0 : i32
    %c0_i32_0 = arith.constant 0 : i32
    %c0_i32_1 = arith.constant 0 : i32
    return %c0_i32, %c0_i32_0 : i32, i32
  }
  func.func @transform_6(%arg0: i32) -> (i32, i32) {
    %c0_i32 = arith.constant 0 : i32
    %c0_i32_0 = arith.constant 0 : i32
    %c0_i32_1 = arith.constant 0 : i32
    return %c0_i32, %c0_i32_0 : i32, i32
  }
  func.func @transform_7(%arg0: i32) -> (i32, i32) {
    %c0_i32 = arith.constant 0 : i32
    %c0_i32_0 = arith.constant 0 : i32
    %c0_i32_1 = arith.constant 0 : i32
    return %c0_i32, %c0_i32_0 : i32, i32
  }
  func.func @transform_8(%arg0: i32) -> (i32, i32) {
    %c0_i32 = arith.constant 0 : i32
    %c0_i32_0 = arith.constant 0 : i32
    %c0_i32_1 = arith.constant 0 : i32
    return %c0_i32, %c0_i32_0 : i32, i32
  }
  func.func @transform_9(%arg0: i32) -> (i32, i32) {
    %c0_i32 = arith.constant 0 : i32
    %c0_i32_0 = arith.constant 0 : i32
    %c0_i32_1 = arith.constant 0 : i32
    return %c0_i32, %c0_i32_0 : i32, i32
  }
  func.func @transform_10(%arg0: i32) -> (i32, i32) {
    %c0_i32 = arith.constant 0 : i32
    %c0_i32_0 = arith.constant 0 : i32
    %c0_i32_1 = arith.constant 0 : i32
    return %c0_i32, %c0_i32_0 : i32, i32
  }
  func.func @transform_11(%arg0: i32) -> (i32, i32) {
    %c0_i32 = arith.constant 0 : i32
    %c0_i32_0 = arith.constant 0 : i32
    return %arg0, %c0_i32 : i32, i32
  }
}

</mosaic_0001>

<sc_bundles>
// kernel: kernel.10.cloned.1.call-start
scs
__scs_entry_jumppad:
0x0: {  	(pc) =	sbr.rel $0x88, $3  }
0x1: {  	(tag) =	ssettag $0x0;
	lr =	simm.s32 $0x1  }
0x2: {  	[smem:$0x3F96] =	sst lr;
	_ =	strace $0xD0000000  }
0x3: {  	_ = 	snop  }
0x4: {  	_ = 	snop  }
0x5: {  	_ = 	snop  }
0x6: {  	_ = 	snop  }
0x7: {  	_ = 	snop  }
__scs_overlays_trampoline_lowered:
0x8: {  	[smem:$0x3FA5] =	sst s0  }
0x9: {  	[smem:$0x3FA6] =	sst s1  }
0xa: {  	[smem:$0x3FA7] =	sst s2  }
0xb: {  	[smem:$0x3FA8] =	sst s3  }
0xc: {  	[smem:$0x3FA9] =	sst s4  }
0xd: {  	[smem:$0x3FAA] =	sst s5  }
0xe: {  	[smem:$0x3FAB] =	sst s6  }
0xf: {  	[smem:$0x3FAC] =	sst s7  }
0x10: {  	[smem:$0x3FAD] =	sst s8  }
0x11: {  	[smem:$0x3FAE] =	sst s9;
	s0 =	simm.s32 @!p0 $0x0  }
0x12: {  	s1 =	sld [smem:$0x3F94];
	s0 =	simm.s32 @p0 $0x1  }
0x13: {  	[smem:$0x3FAF] =	sst s0;
	s0 =	simm.s32 @!p1 $0x0  }
0x14: {  	s2 =	sld [smem:$0x3F93];
	s0 =	simm.s32 @p1 $0x1  }
0x15: {  	[smem:$0x3FB0] =	sst s0;
	s0 =	simm.s32 @!p2 $0x0  }
0x16: {  	s3 =	sld [smem:$0x3FDB];
	s0 =	simm.s32 @p2 $0x1  }
0x17: {  	s4 =	simm.s32 $0x1BF5;
	[smem:$0x3FB2] =	sst s0  }
0x18: {  	s0 =	sld [smem:$0x3F95];
	_ =	swait.ge [sflag:s4], $0x0  }
0x19: {  	s7 =	sld [smem:$0x3F96]  }
0x1a: {  	s8 =	sadd.s32 $0xFFFFE003, lr  }
0x1b: {  	s9 =	sadd.s32 $0xFFFFFEF7, lr;
	s5 =	simm.s32 $0xFFFFFFFF;
	p2 =	slt.u32 s8, $0xFFFFF086  }
0x1c: {  	p1 =	slt.u32 s9, $0xF7A;
	s5 =	simm.s32 @!p2 $0x0  }
0x1d: {  	s5 =	simm.s32 @p1 $0x1;
	p0 =	seq.s32 s7, s2  }
0x1e: {  	s7 =	smul.u32 @!p0 $0xF7A, s2;
	p2 =	seq.s32 @!p0 s5, $0x0  }
0x1f: {  	s9 =	smul.u32 $0xF7A, s1;
	s8 =	simm.s32 @!p0 $0x1BF5;
	p2 =	por !p2, p0  }
0x20: {  	[sflag:s8] =	ssyncset.s32 @!p0 $0xFFFFF086;
	s6 =	sadd.s32 @!p0 s3, s7;
	s7 =	simm.s32 @!p0 $0x108  }
0x21: {  	s3 =	sadd.s32 s3, s9;
	s6 =	sadd.s32 @!p0 $0x88, s6;
	s7 =	simm.s32 @p2 $0x1082  }
0x22: {  	[simem:s7], [sflag:s8] =	dma.local @!p0 [hbm:s6], $0xF7A  }
0x23: {  	s9 =	sor.u32 $0xD0000000, s2;
	s6 =	simm.s32 $0x108;
	_ =	swait.ge @!p0 [sflag:s8], $0x0  }
0x24: {  	s3 =	sadd.s32 $0x88, s3;
	s6 =	simm.s32 @!p1 $0x1082;
	[sflag:s4] =	ssyncset.s32 $0xFFFFF086  }
0x25: {  	[simem:s6], [sflag:s4] =	dma.local [hbm:s3], $0xF7A  }
0x26: {  	[smem:$0x3F96] =	sst s1;
	(tag) =	ssettag s2;
	_ =	strace s9  }
0x27: {  	s1 =	sld [smem:$0x3FA6]  }
0x28: {  	s2 =	sld [smem:$0x3FA7]  }
0x29: {  	s4 =	sld [smem:$0x3FA9]  }
0x2a: {  	p0 =	seq.s32 s5, $0x0;
	s5 =	sld [smem:$0x3FAA]  }
0x2b: {  	s6 =	sld [smem:$0x3FAB]  }
0x2c: {  	s7 =	sld [smem:$0x3FAC]  }
0x2d: {  	s3 =	simm.s32 $0x108;
	s8 =	sld [smem:$0x3FAD]  }
0x2e: {  	s3 =	simm.s32 @!p0 $0x1082;
	s9 =	sld [smem:$0x3FAE]  }
0x2f: {  	lr =	sadd.s32 s0, s3;
	s0 =	sld [smem:$0x3FA5]  }
0x30: {  	s3 =	sld [smem:$0x3FA8]  }
0x31: {  	[smem:$0x3FB1] =	sst s10  }
0x32: {  	s10 =	sld [smem:$0x3FAF];
	_ =	sdelay $0x3  }
0x33: {  	p0 =	seq.s32 s10, $0x1;
	s10 =	sld [smem:$0x3FB1];
	_ =	sdelay $0x3  }
0x34: {  	[smem:$0x3FB1] =	sst s10  }
0x35: {  	s10 =	sld [smem:$0x3FB0];
	_ =	sdelay $0x3  }
0x36: {  	p1 =	seq.s32 s10, $0x1;
	s10 =	sld [smem:$0x3FB1];
	_ =	sdelay $0x3  }
0x37: {  	[smem:$0x3FB1] =	sst s10  }
0x38: {  	s10 =	sld [smem:$0x3FB2]  }
0x39: {  	_ = 	snop;
	(pc) =	sbr.ind lr, $3  }
0x3a: {  	_ = 	snop  }
0x3b: {  	_ = 	snop  }
0x3c: {  	p2 =	seq.s32 s10, $0x1;
	s10 =	sld [smem:$0x3FB1]  }
0x3d: {  	_ =	shalt  }
0x3e: {  	_ =	shalt  }
0x3f: {  	_ =	shalt  }
0x40: {  	_ =	shalt  }
0x41: {  	_ =	shalt  }
0x42: {  	_ =	shalt  }
0x43: {  	_ =	shalt  }
0x44: {  	_ =	shalt  }
0x45: {  	_ =	shalt  }
0x46: {  	_ =	shalt  }
0x47: {  	_ =	shalt  }
0x48: {  	_ =	shalt  }
0x49: {  	_ =	shalt  }
0x4a: {  	_ =	shalt  }
0x4b: {  	_ =	shalt  }
0x4c: {  	_ =	shalt  }
0x4d: {  	_ =	shalt  }
0x4e: {  	_ =	shalt  }
0x4f: {  	_ =	shalt  }
0x50: {  	_ =	shalt  }
0x51: {  	_ =	shalt  }
0x52: {  	_ =	shalt  }
0x53: {  	_ =	shalt  }
0x54: {  	_ =	shalt  }
0x55: {  	_ =	shalt  }
0x56: {  	_ =	shalt  }
0x57: {  	_ =	shalt  }
0x58: {  	_ =	shalt  }
0x59: {  	_ =	shalt  }
0x5a: {  	_ =	shalt  }
0x5b: {  	_ =	shalt  }
0x5c: {  	_ =	shalt  }
0x5d: {  	_ =	shalt  }
0x5e: {  	_ =	shalt  }
0x5f: {  	_ =	shalt  }
0x60: {  	_ =	shalt  }
0x61: {  	_ =	shalt  }
0x62: {  	_ =	shalt  }
0x63: {  	_ =	shalt  }
0x64: {  	_ =	shalt  }
0x65: {  	_ =	shalt  }
0x66: {  	_ =	shalt  }
0x67: {  	_ =	shalt  }
0x68: {  	_ =	shalt  }
0x69: {  	_ =	shalt  }
0x6a: {  	_ =	shalt  }
0x6b: {  	_ =	shalt  }
0x6c: {  	_ =	shalt  }
0x6d: {  	_ =	shalt  }
0x6e: {  	_ =	shalt  }
0x6f: {  	_ =	shalt  }
0x70: {  	_ =	shalt  }
0x71: {  	_ =	shalt  }
0x72: {  	_ =	shalt  }
0x73: {  	_ =	shalt  }
0x74: {  	_ =	shalt  }
0x75: {  	_ =	shalt  }
0x76: {  	_ =	shalt  }
0x77: {  	_ =	shalt  }
0x78: {  	_ =	shalt  }
0x79: {  	_ =	shalt  }
0x7a: {  	_ =	shalt  }
0x7b: {  	_ =	shalt  }
0x7c: {  	_ =	shalt  }
0x7d: {  	_ =	shalt  }
0x7e: {  	_ =	shalt  }
0x7f: {  	_ =	shalt  }
0x80: {  	_ =	shalt  }
0x81: {  	_ =	shalt  }
0x82: {  	_ =	shalt  }
0x83: {  	_ =	shalt  }
0x84: {  	_ =	shalt  }
0x85: {  	_ =	shalt  }
0x86: {  	_ =	shalt  }
0x87: {  	_ =	shalt  }
.Lfunc_end0:
.L_simem_size_0:
called_computation.1_lowered:
.L_overlay_start_0:
0x88: {  	s2 =	sld [smem:$0x3FD9]  }
0x89: {  	s3 =	sld [smem:$0x3FFE];
	_ =	sdelay $0x1  }
0x8a: {  	s1 =	srdreg.scid  }
0x8b: {  	s0 =	sand.u32 $0x1, s1  }
0x8c: {  	s17 =	sshll.u32 s0, $0xA;
	s2 =	sadd.s32 s3, s2  }
0x8d: {  	s2 =	sadd.s32 s2, s17  }
0x8e: {  	[smem:$0x3FBD] =	sst s2  }
0x8f: {  	_ = 	snop  }
0x90: {  	s2 =	sld [smem:$0x3FC9];
	(tm) =	ssettm $0x1  }
0x91: {  	s18 =	sld [smem:$0x3FFB];
	_ =	sdelay $0x3  }
0x92: {  	_ =	strace s18  }
0x93: {  	s3 =	sld [smem:$0x3FFC];
	_ =	sdelay $0x3  }
0x94: {  	_ =	strace s3  }
0x95: {  	s3 =	sld [smem:$0x3FFD];
	_ =	sdelay $0x3  }
0x96: {  	_ =	strace s3  }
0x97: {  	_ =	strace $0x8FFFFFFF  }
0x98: {  	s19 =	sld [smem:$0x3FDB];
	_ =	sdelay $0x1  }
0x99: {  	s4 =	simm.s32 $_scs_section_size  }
0x9a: {  	s5 =	simm.s32 $_size__tile_overlayer_lowered;
	s6 =	simm.s32 $_tile_overlayer_lowered  }
0x9b: {  	s22 =	simm.s32 $0x1BFF;
	s21 =	sshll.u32 s6, $0x1;
	s3 =	sadd.s32 s4, s19  }
0x9c: {  	s7 =	simm.s32 $0x0;
	s20 =	sshll.u32 s5, $0x1;
	s5 =	sadd.s32 s21, s3  }
0x9d: {  	[timem:s7], [sflag:s22] =	dma.local [hbm:s5], s20  }
0x9e: {  	_ =	swait.ge [sflag:s22], s20  }
0x9f: {  	s4 =	ssub.s32 $0x0, s20;
	[sflag:s22] =	ssyncset.done $0x0  }
0xa0: {  	[sflag:s22] =	ssyncadd.s32 s4;
	_ =	sdelay $0x1  }
0xa1: {  	s23 =	simm.s32 $0x1B8B  }
0xa2: {  	_ =	swait.ge [sflag:s23], $0x1  }
0xa3: {  	[sflag:s23] =	ssyncset.done $0x0  }
0xa4: {  	s25 =	simm.s32 $0x1B8E;
	s24 =	sld [smem:$0x3FFE];
	[sflag:s23] =	ssyncadd.s32 $0xFFFFFFFF  }
0xa5: {  	s26 =	simm.s32 $execute0_lowered;
	[smem:$0x3FD2] =	sst s25  }
0xa6: {  	s5 =	sshll.u32 s26, $0x1;
	_ =	strace $0x80000046;
	[dreg:$0x1] =	wrdreg $0xFFFFFFFF  }
0xa7: {  	s28 =	simm.s32 $_size_execute0_lowered;
	s3 =	sadd.s32 s3, s5;
	[dreg:$0x0] =	wrdreg $0x0  }
0xa8: {  	s5 =	sshll.u32 s28, $0x1;
	[dreg:$0x2] =	wrdreg s3  }
0xa9: {  	[dreg:$0x3] =	wrdreg s5  }
0xaa: {  	[dreg:$0x4] =	wrdreg $0xC0  }
0xab: {  	_ =	task [dreg:s7], $0x5FFFF  }
0xac: {  	[dreg:$0x1] =	wrdreg $0xFFFFFFFF  }
0xad: {  	[dreg:$0x0] =	wrdreg $0x60  }
0xae: {  	[dreg:$0x2] =	wrdreg s2  }
0xaf: {  	[dreg:$0x3] =	wrdreg s24  }
0xb0: {  	[dreg:$0x4] =	wrdreg $0x88000  }
0xb1: {  	[dreg:$0x5] =	wrdreg $0xA  }
0xb2: {  	_ =	task.clear_ibuf [dreg:s7], $0x6FFFF;
	_ =	strace $0x90000046  }
0xb3: {  	s29 =	simm.s32 $0xA;
	_ =	strace $0x80000048  }
0xb4: {  	_ =	swait.ge [sflag:s29], $0x1  }
0xb5: {  	[sflag:s29] =	ssyncadd.s32 $0xFFFFFFFF  }
0xb6: {  	_ =	strace $0x90000048  }
0xb7: {  	_ =	sfence  }
0xb8: {  	s30 =	sld [smem:$0x0];
	_ =	sdelay $0x2  }
0xb9: {  	s31 =	sshll.u32 s1, $0xD;
	s1 =	sshrl.u32 s1, $0x2  }
0xba: {  	s3 =	sand.u32 $0x4000, s31;
	s1 =	sadd.s32 s1, s30  }
0xbb: {  	s0 =	sor.u32 s3, s0;
	s1 =	sshll.u32 s1, $0x11  }
0xbc: {  	s0 =	sor.u32 s1, s0  }
0xbd: {  	s0 =	sadd.s32 $0x8F2B, s0  }
0xbe: {  	[sflag:s0] =	ssyncadd.remote.s32 $0x1  }
0xbf: {  	_ =	sfence.sel $0xFFFF  }
0xc0: {  	[dreg:$0x0] =	wrdreg $0xFFFFFFFF;
	(pc) =	sbr.abs _section_cstart, $3  }
0xc1: {  	[dreg:$0x1] =	wrdreg $0xFFFFFFFF  }
0xc2: {  	_ =	task.clear_ibuf [dreg:s7], $0x2FFFF;
	_ =	strace $0x9FFFFFFF  }
0xc3: {  	(tm) =	ssettm $0x7FFFFFFF  }
tec
execute0_lowered:
.L_overlay_start_1:
0x0: {  	(tag) =	ssettag $0x1  }
0x1: {  	s1 =	rddreg [dreg:$0x0]  }
0x2: {  	s0 =	rddreg [dreg:$0x1]  }
0x3: {  	s2 =	rddreg [dreg:$0x2]  }
0x4: {  	s3 =	simm.s32 $0x0;
	s4 =	srdreg.scid;
	s11 =	stileid.u32  }
0x5: {  	s21 =	simm.s32 $0x2;
	s22 =	simm.s32 $0x400;
	s23 =	simm.s32 $0x4800  }
0x6: {  	s24 =	simm.s32 $0x80;
	[smem:$0x7FF] =	sst s3;
	s5 =	sadd.s32 $0x7800, s0  }
0x7: {  	s4 =	sand.u32 $0x1, s4;
	s6 =	sadd.s32 $0x2800, s0;
	s13 =	smul.u32 $0x280, s11  }
0x8: {  	s7 =	sadd.s32 $0x4E4800, s0;
	s10 =	smul.u32 $0x50000, s11;
	s0 =	sadd.s32 $0xC800, s0  }
0x9: {  	_ =	strace $0x80000047;
	s8 =	ssub.s32 $0x2, s4;
	s25 =	sshll.u32 s4, $0x4  }
0xa: {  	s4 =	smul.u32 $0x2800, s4;
	s9 =	sshrl.u32 s8, $0x1;
	s14 =	sor.u32 s11, s25  }
0xb: {  	s26 =	sshrl.u32 s10, $0x2;
	s15 =	sadd.s32 $0x80, s13;
	s16 =	sadd.s32 $0x100, s13  }
0xc: {  	s17 =	sadd.s32 $0x180, s13;
	s18 =	sadd.s32 $0x200, s13;
	s25 =	simm.s32 $0x1  }
0xd: {  	s19 =	ssub.s32 s8, s9;
	s8 =	sadd.s32 s26, s2;
	s28 =	sshll.u32 s15, $0x7  }
0xe: {  	s29 =	sshll.u32 s16, $0x7;
	s30 =	sshll.u32 s17, $0x7;
	s12 =	sshll.u32 s18, $0x7  }
0xf: {  	s20 =	sadd.s32 s13, s4;
	s15 =	sadd.s32 s4, s15;
	s13 =	smul.u32 $0x28, s14  }
0x10: {  	s16 =	sadd.s32 s4, s16;
	s17 =	sadd.s32 s4, s17;
	s4 =	sadd.s32 s4, s18  }
0x11: {  	s26 =	simm.s32 $0x0;
	s9 =	sadd.s32 s28, s2;
	s10 =	sadd.s32 s29, s2  }
0x12: {  	s11 =	sadd.s32 s30, s2;
	s12 =	sadd.s32 s12, s2;
	s31 =	sshll.u32 s20, $0x4  }
0x13: {  	s15 =	sshll.u32 s15, $0x4;
	s16 =	sshll.u32 s16, $0x4;
	s17 =	sshll.u32 s17, $0x4  }
0x14: {  	s4 =	sshll.u32 s4, $0x4;
	s19 =	smax.u32 s19, $0x1;
	s20 =	simm.s32 $0x800  }
0x15: {  	s14 =	sadd.s32 s0, s31;
	s15 =	sadd.s32 s0, s15;
	s16 =	sadd.s32 s0, s16  }
0x16: {  	v0 =	vimm.f32 $0.0e+00;
	s17 =	sadd.s32 s0, s17;
	s18 =	sadd.s32 s0, s4;
	[dreg:$0x4] =	wrdreg s14  }
.LBB2_1:
0x17: {  	s0 =	simm.s32 $0x0;
	s4 =	simm.s32 $0x200  }
.LBB2_2:
0x18: {  	p0 =	sne.s32 s4, $0xFE00;
	[tilespmem:s0+$0x870] =	vst v0  }
0x19: {  	[tilespmem:s0+$0x800] =	vst v0  }
0x1a: {  	[tilespmem:s0+$0x810] =	vst v0  }
.Ltmp0:
0x1b: {  	[tilespmem:s0+$0x820] =	vst v0;
	(pc) =	sbr.rel @p0 .LBB2_2-.Ltmp0, $4  }
0x1c: {  	[tilespmem:s0+$0x830] =	vst v0  }
0x1d: {  	[tilespmem:s0+$0x840] =	vst v0  }
0x1e: {  	[tilespmem:s0+$0x850] =	vst v0  }
0x1f: {  	[tilespmem:s0+$0x860] =	vst v0;
	s0 =	sshra.s32 s4, $0x2;
	s4 =	sadd.s32 $0x200, s4  }
0x20: {  	[tilespmem:s0+$0x870] =	vst v0  }
0x21: {  	[tilespmem:s0+$0x800] =	vst v0  }
0x22: {  	[tilespmem:s0+$0x810] =	vst v0  }
0x23: {  	[tilespmem:s0+$0x820] =	vst v0  }
0x24: {  	[tilespmem:s0+$0x830] =	vst v0  }
0x25: {  	[tilespmem:s0+$0x840] =	vst v0  }
0x26: {  	[tilespmem:s0+$0x850] =	vst v0  }
0x27: {  	[tilespmem:s0+$0x860] =	vst v0  }
0x28: {  	[spmem:s8] =	stream.linear.scatter [tilespmem:s20], [sflag:$0x2], $0x4000, $0x38;
	[tilespmem:$0x1C800] =	vst v63  }
0x29: {  	_ =	swait.ge [sflag:s21], $0x4000  }
0x2a: {  	[sflag:s21] =	ssyncset.done $0x0  }
0x2b: {  	[sflag:s21] =	ssyncadd.s32 $0xFFFFC000  }
0x2c: {  	[spmem:s9] =	stream.linear.scatter [tilespmem:s20], [sflag:$0x2], $0x4000, $0x38;
	[tilespmem:$0x1C800] =	vst v63  }
0x2d: {  	_ =	swait.ge [sflag:s21], $0x4000  }
0x2e: {  	[sflag:s21] =	ssyncset.done $0x0  }
0x2f: {  	[sflag:s21] =	ssyncadd.s32 $0xFFFFC000  }
0x30: {  	[spmem:s10] =	stream.linear.scatter [tilespmem:s20], [sflag:$0x2], $0x4000, $0x38;
	[tilespmem:$0x1C800] =	vst v63  }
0x31: {  	_ =	swait.ge [sflag:s21], $0x4000  }
0x32: {  	[sflag:s21] =	ssyncset.done $0x0  }
0x33: {  	[sflag:s21] =	ssyncadd.s32 $0xFFFFC000  }
0x34: {  	[spmem:s11] =	stream.linear.scatter [tilespmem:s20], [sflag:$0x2], $0x4000, $0x38;
	[tilespmem:$0x1C800] =	vst v63  }
0x35: {  	_ =	swait.ge [sflag:s21], $0x4000  }
0x36: {  	[sflag:s21] =	ssyncset.done $0x0  }
0x37: {  	[sflag:s21] =	ssyncadd.s32 $0xFFFFC000  }
0x38: {  	[spmem:s12] =	stream.linear.scatter [tilespmem:s20], [sflag:$0x2], $0x4000, $0x38;
	[tilespmem:$0x1C800] =	vst v63  }
0x39: {  	_ =	swait.ge [sflag:s21], $0x4000  }
0x3a: {  	[sflag:s21] =	ssyncset.done $0x0  }
0x3b: {  	[sflag:s21] =	ssyncadd.s32 $0xFFFFC000  }
0x3c: {  	s28 =	simm.s32 $0x0;
	[bflag:$0x0] =	sbarrier.arrive $0xFFFF  }
.LBB2_4:
0x3d: {  	s0 =	sshll.u32 s28, $0x3  }
0x3e: {  	s29 =	sadd.s32 s13, s0  }
0x3f: {  	s0 =	sshll.u32 s29, $0x4  }
0x40: {  	s4 =	sadd.s32 s5, s0  }
0x41: {  	[tilespmem:s26], [sflag:$0x2] =	stream.linear.gather [hbm4b:s4+s26], $0x400, $0x38;
	[tilespmem:$0x1C800] =	vst v63  }
0x42: {  	_ =	swait.ge [sflag:s21], $0x400  }
0x43: {  	[sflag:s21] =	ssyncset.done $0x0  }
0x44: {  	s0 =	sadd.s32 s6, s0;
	[sflag:s21] =	ssyncadd.s32 $0xFFFFFC00  }
0x45: {  	[tilespmem:s22], [sflag:$0x2] =	stream.linear.gather [hbm4b:s0+s26], $0x400, $0x38;
	[tilespmem:$0x1C800] =	vst v63  }
0x46: {  	_ =	swait.ge [sflag:s21], $0x400  }
0x47: {  	[sflag:s21] =	ssyncset.done $0x0  }
0x48: {  	s30 =	simm.s32 $0x0;
	[sflag:s21] =	ssyncadd.s32 $0xFFFFFC00  }
.LBB2_5:
0x49: {  	s0 =	sadd.s32 s29, s30  }
0x4a: {  	s0 =	sshll.u32 s0, $0xB  }
0x4b: {  	s4 =	simm.s32 $0x0;
	s0 =	sadd.s32 s7, s0  }
0x4c: {  	[tilespmem:s23], [sflag:$0x2] =	stream.linear.gather [hbm4b:s0+s4], $0x4000, $0x38;
	[tilespmem:$0x1C800] =	vst v63  }
0x4d: {  	_ =	swait.ge [sflag:s21], $0x4000  }
0x4e: {  	[sflag:s21] =	ssyncset.done $0x0  }
0x4f: {  	s31 =	sshll.u32 s30, $0x7;
	[sflag:s21] =	ssyncadd.s32 $0xFFFFC000  }
0x50: {  	[tilespmem:s20], [sflag:$0x1] =	stream.indirect.gather [hbm4b:s1+s24], $0x80, s31, s24, $0xb8;
	[tilespmem:$0x1C800] =	vst v63  }
0x51: {  	_ =	swait.ge [sflag:s25], $0x4000  }
0x52: {  	[sflag:s25] =	ssyncset.done $0x0  }
0x53: {  	s0 =	simm.s32 $0x0;
	[sflag:s25] =	ssyncadd.s32 $0xFFFFC000  }
0x54: {  	v7 =	vld [tilespmem:s0+$0x4800]  }
0x55: {  	v12 =	vld [tilespmem:s0+$0x4810]  }
0x56: {  	v6 =	vld [tilespmem:s0+$0x4820]  }
0x57: {  	v5 =	vld [tilespmem:s0+$0x4830]  }
0x58: {  	v4 =	vld [tilespmem:s0+$0x4840]  }
0x59: {  	v3 =	vld [tilespmem:s0+$0x4850]  }
0x5a: {  	v2 =	vld [tilespmem:s0+$0x4860]  }
0x5b: {  	v1 =	vld [tilespmem:s0+$0x4870]  }
0x5c: {  	v13 =	vld [tilespmem:s0+$0x800]  }
0x5d: {  	v14 =	vld [tilespmem:s0+$0x810]  }
0x5e: {  	v11 =	vld [tilespmem:s0+$0x820]  }
0x5f: {  	v10 =	vld [tilespmem:s0+$0x830]  }
0x60: {  	v9 =	vld [tilespmem:s0+$0x840]  }
0x61: {  	v8 =	vld [tilespmem:s0+$0x850];
	v13 =	vadd.f32 v7, v13  }
0x62: {  	s4 =	simm.s32 $0x200;
	v12 =	vadd.f32 v12, v14;
	v7 =	vld [tilespmem:s0+$0x860]  }
.LBB2_6:
0x63: {  	s14 =	sshra.s32 s4, $0x2;
	p0 =	sne.s32 s4, $0xFE00;
	v13 =	vmax.f32 v13, $0.0e+00;
	v6 =	vadd.f32 v6, v11;
	v11 =	vld [tilespmem:s0+$0x870]  }
0x64: {  	v14 =	vld [tilespmem:s14+$0x4800];
	[tilespmem:s0+$0x800] =	vst v13;
	v12 =	vmax.f32 v12, $0.0e+00;
	v5 =	vadd.f32 v5, v10  }
0x65: {  	v15 =	vld [tilespmem:s14+$0x4810];
	[tilespmem:s0+$0x810] =	vst v12;
	v10 =	vmax.f32 v6, $0.0e+00;
	v4 =	vadd.f32 v4, v9  }
0x66: {  	v6 =	vld [tilespmem:s14+$0x4820];
	[tilespmem:s0+$0x820] =	vst v10;
	v9 =	vmax.f32 v5, $0.0e+00;
	v3 =	vadd.f32 v3, v8  }
0x67: {  	v5 =	vld [tilespmem:s14+$0x4830];
	[tilespmem:s0+$0x830] =	vst v9;
	v8 =	vmax.f32 v4, $0.0e+00;
	v2 =	vadd.f32 v2, v7  }
0x68: {  	v4 =	vld [tilespmem:s14+$0x4840];
	[tilespmem:s0+$0x840] =	vst v8;
	v7 =	vmax.f32 v3, $0.0e+00;
	v1 =	vadd.f32 v1, v11  }
0x69: {  	v3 =	vld [tilespmem:s14+$0x4850];
	[tilespmem:s0+$0x850] =	vst v7;
	v7 =	vmax.f32 v2, $0.0e+00  }
0x6a: {  	v2 =	vld [tilespmem:s14+$0x4860];
	[tilespmem:s0+$0x860] =	vst v7;
	v7 =	vmax.f32 v1, $0.0e+00  }
0x6b: {  	v1 =	vld [tilespmem:s14+$0x4870];
	[tilespmem:s0+$0x870] =	vst v7;
	s0 =	smov.u32 s14  }
0x6c: {  	v7 =	vld [tilespmem:s0+$0x800]  }
0x6d: {  	v12 =	vld [tilespmem:s0+$0x810]  }
.Ltmp1:
0x6e: {  	v11 =	vld [tilespmem:s0+$0x820];
	(pc) =	sbr.rel @p0 .LBB2_6-.Ltmp1, $4  }
0x6f: {  	v10 =	vld [tilespmem:s0+$0x830]  }
0x70: {  	v9 =	vld [tilespmem:s0+$0x840]  }
0x71: {  	v13 =	vadd.f32 v14, v7;
	v8 =	vld [tilespmem:s0+$0x850]  }
0x72: {  	s4 =	sadd.s32 $0x200, s4;
	v12 =	vadd.f32 v15, v12;
	v7 =	vld [tilespmem:s0+$0x860]  }
0x73: {  	v13 =	vmax.f32 v13, $0.0e+00;
	v6 =	vadd.f32 v6, v11;
	v63 =	vld [tilespmem:s0+$0x870]  }
0x74: {  	[tilespmem:s0+$0x800] =	vst v13;
	v12 =	vmax.f32 v12, $0.0e+00;
	v5 =	vadd.f32 v5, v10  }
0x75: {  	[tilespmem:s0+$0x810] =	vst v12;
	v6 =	vmax.f32 v6, $0.0e+00;
	v4 =	vadd.f32 v4, v9  }
0x76: {  	[tilespmem:s0+$0x820] =	vst v6;
	v5 =	vmax.f32 v5, $0.0e+00;
	v3 =	vadd.f32 v3, v8  }
0x77: {  	[tilespmem:s0+$0x830] =	vst v5;
	v4 =	vmax.f32 v4, $0.0e+00;
	v2 =	vadd.f32 v2, v7  }
0x78: {  	[tilespmem:s0+$0x840] =	vst v4;
	v3 =	vmax.f32 v3, $0.0e+00;
	v1 =	vadd.f32 v1, v63  }
0x79: {  	s30 =	sadd.s32 $0x1, s30;
	[tilespmem:s0+$0x850] =	vst v3;
	v2 =	vmax.f32 v2, $0.0e+00  }
0x7a: {  	p0 =	sne.s32 s30, $0x8;
	[tilespmem:s0+$0x860] =	vst v2;
	v1 =	vmax.f32 v1, $0.0e+00  }
.Ltmp2:
0x7b: {  	s31 =	sadd.s32 $0x400, s31;
	[tilespmem:s0+$0x870] =	vst v1;
	(pc) =	sbr.rel @p0 .LBB2_5-.Ltmp2, $4  }
0x7c: {  	[spmem:s2] =	stream.indirect.scatter.add.f32 [tilespmem:s20], [sflag:$0x2], $0x80, s31, s24, $0xb8;
	[tilespmem:$0x1C800] =	vst v63  }
0x7d: {  	_ =	swait.ge [sflag:s21], $0x4000  }
0x7e: {  	[sflag:s21] =	ssyncset.done $0x0  }
0x7f: {  	[sflag:s21] =	ssyncadd.s32 $0xFFFFC000  }
0x80: {  	s28 =	sadd.s32 $0x1, s28  }
0x81: {  	p0 =	sne.s32 s28, $0x5  }
.Ltmp3:
0x82: {  	_ = 	snop;
	(pc) =	sbr.rel @p0 .LBB2_4-.Ltmp3, $1  }
0x83: {  	_ =	sdelay $0x3  }
0x84: {  	s0 =	stileid.u32  }
0x85: {  	[bflag:$0x0] =	sbarrier.arrive $0xFFFF;
	s0 =	sshll.u32 s0, $0x6  }
0x86: {  	s4 =	sshrl.u32 s8, $0x3;
	s14 =	rddreg [dreg:$0x4];
	s0 =	sor.u32 $0x1C02, s0  }
0x87: {  	[hbm:s14], [sflag:s0] =	dma.local [spmem:s4], $0x800  }
0x88: {  	_ =	swait.ge [sflag:s21], $0x800  }
0x89: {  	[sflag:s21] =	ssyncset.done $0x0  }
0x8a: {  	s28 =	sshrl.u32 s9, $0x3;
	[sflag:s21] =	ssyncadd.s32 $0xFFFFF800  }
0x8b: {  	[hbm:s15], [sflag:s0] =	dma.local [spmem:s28], $0x800  }
0x8c: {  	_ =	swait.ge [sflag:s21], $0x800  }
0x8d: {  	[sflag:s21] =	ssyncset.done $0x0  }
0x8e: {  	s29 =	sshrl.u32 s10, $0x3;
	[sflag:s21] =	ssyncadd.s32 $0xFFFFF800  }
0x8f: {  	[hbm:s16], [sflag:s0] =	dma.local [spmem:s29], $0x800  }
0x90: {  	_ =	swait.ge [sflag:s21], $0x800  }
0x91: {  	[sflag:s21] =	ssyncset.done $0x0  }
0x92: {  	s30 =	sshrl.u32 s11, $0x3;
	[sflag:s21] =	ssyncadd.s32 $0xFFFFF800  }
0x93: {  	[hbm:s17], [sflag:s0] =	dma.local [spmem:s30], $0x800  }
0x94: {  	s3 =	sadd.s32 $0x1, s3;
	_ =	swait.ge [sflag:s21], $0x800  }
0x95: {  	p0 =	sne.s32 s3, s19;
	[sflag:s21] =	ssyncset.done $0x0  }
.Ltmp4:
0x96: {  	s31 =	sshrl.u32 s12, $0x3;
	[sflag:s21] =	ssyncadd.s32 $0xFFFFF800;
	(pc) =	sbr.rel @p0 .LBB2_1-.Ltmp4, $4  }
0x97: {  	[hbm:s18], [sflag:s0] =	dma.local [spmem:s31], $0x800  }
0x98: {  	_ =	swait.ge [sflag:s21], $0x800  }
0x99: {  	[sflag:s21] =	ssyncset.done $0x0  }
0x9a: {  	[sflag:s21] =	ssyncadd.s32 $0xFFFFF800  }
0x9b: {  	_ =	sfence.sel $0x180000  }
0x9c: {  	[bflag:$0x0] =	sbarrier.arrive $0xFFFF  }
0x9d: {  	_ =	strace $0x90000047  }
0x9e: {  	s0 =	stileid.u32;
	[bflag:$0x2] =	sbarrier.arrive $0xFFFF  }
0x9f: {  	p0 =	sne.s32 s0, $0x0;
	s0 =	rddreg [dreg:$0x3]  }
0xa0: {  	s0 =	sadd.s32 @!p0 $0x100000, s0  }
0xa1: {  	[sflag:s0] =	ssyncadd.tile.s32 @!p0 $0x1;
	_ =	shalt  }
.Lfunc_end2:
_tile_overlayer_lowered:
.L_overlay_start_2:
0xa2: {  	(tag) =	ssettag $0x2  }
0xa3: {  	s0 =	rddreg [dreg:$0x0];
	s2 =	stileid.u32  }
0xa4: {  	s1 =	rddreg [dreg:$0x1];
	p0 =	sne.s32 s2, $0x0  }
0xa5: {  	s3 =	rddreg [dreg:$0x2];
	[bflag:$0x3] =	sbarrier.arrive $0xFFFF;
	s2 =	simm.s32 @!p0 $0x1C02  }
0xa6: {  	[timem:s3], [sflag:s2] =	dma.local @!p0 [hbm:s0], s1  }
0xa7: {  	s0 =	simm.s32 @!p0 $0x2  }
0xa8: {  	_ =	swait.ge @!p0 [sflag:s0], s1  }
0xa9: {  	s1 =	ssub.s32 @!p0 $0x0, s1;
	[sflag:s0] =	ssyncset.done @!p0 $0x0  }
0xaa: {  	[sflag:s0] =	ssyncadd.s32 @!p0 s1  }
0xab: {  	[bflag:$0x3] =	sbarrier.arrive $0xFFFF  }
0xac: {  	_ =	shalt  }

// kernel: kernel.7.cloned.1.call-start
scs
__scs_entry_jumppad:
0x0: {  	(pc) =	sbr.rel $0x88, $3  }
0x1: {  	(tag) =	ssettag $0x0;
	lr =	simm.s32 $0x1  }
0x2: {  	[smem:$0x3F96] =	sst lr;
	_ =	strace $0xD0000000  }
0x3: {  	_ = 	snop  }
0x4: {  	_ = 	snop  }
0x5: {  	_ = 	snop  }
0x6: {  	_ = 	snop  }
0x7: {  	_ = 	snop  }
__scs_overlays_trampoline_lowered:
0x8: {  	[smem:$0x3FA5] =	sst s0  }
0x9: {  	[smem:$0x3FA6] =	sst s1  }
0xa: {  	[smem:$0x3FA7] =	sst s2  }
0xb: {  	[smem:$0x3FA8] =	sst s3  }
0xc: {  	[smem:$0x3FA9] =	sst s4  }
0xd: {  	[smem:$0x3FAA] =	sst s5  }
0xe: {  	[smem:$0x3FAB] =	sst s6  }
0xf: {  	[smem:$0x3FAC] =	sst s7  }
0x10: {  	[smem:$0x3FAD] =	sst s8  }
0x11: {  	[smem:$0x3FAE] =	sst s9;
	s0 =	simm.s32 @!p0 $0x0  }
0x12: {  	s1 =	sld [smem:$0x3F94];
	s0 =	simm.s32 @p0 $0x1  }
0x13: {  	[smem:$0x3FAF] =	sst s0;
	s0 =	simm.s32 @!p1 $0x0  }
0x14: {  	s2 =	sld [smem:$0x3F93];
	s0 =	simm.s32 @p1 $0x1  }
0x15: {  	[smem:$0x3FB0] =	sst s0;
	s0 =	simm.s32 @!p2 $0x0  }
0x16: {  	s3 =	sld [smem:$0x3FDB];
	s0 =	simm.s32 @p2 $0x1  }
0x17: {  	s4 =	simm.s32 $0x1BF5;
	[smem:$0x3FB2] =	sst s0  }
0x18: {  	s0 =	sld [smem:$0x3F95];
	_ =	swait.ge [sflag:s4], $0x0  }
0x19: {  	s7 =	sld [smem:$0x3F96]  }
0x1a: {  	s8 =	sadd.s32 $0xFFFFE003, lr  }
0x1b: {  	s9 =	sadd.s32 $0xFFFFFEF7, lr;
	s5 =	simm.s32 $0xFFFFFFFF;
	p2 =	slt.u32 s8, $0xFFFFF086  }
0x1c: {  	p1 =	slt.u32 s9, $0xF7A;
	s5 =	simm.s32 @!p2 $0x0  }
0x1d: {  	s5 =	simm.s32 @p1 $0x1;
	p0 =	seq.s32 s7, s2  }
0x1e: {  	s7 =	smul.u32 @!p0 $0xF7A, s2;
	p2 =	seq.s32 @!p0 s5, $0x0  }
0x1f: {  	s9 =	smul.u32 $0xF7A, s1;
	s8 =	simm.s32 @!p0 $0x1BF5;
	p2 =	por !p2, p0  }
0x20: {  	[sflag:s8] =	ssyncset.s32 @!p0 $0xFFFFF086;
	s6 =	sadd.s32 @!p0 s3, s7;
	s7 =	simm.s32 @!p0 $0x108  }
0x21: {  	s3 =	sadd.s32 s3, s9;
	s6 =	sadd.s32 @!p0 $0x88, s6;
	s7 =	simm.s32 @p2 $0x1082  }
0x22: {  	[simem:s7], [sflag:s8] =	dma.local @!p0 [hbm:s6], $0xF7A  }
0x23: {  	s9 =	sor.u32 $0xD0000000, s2;
	s6 =	simm.s32 $0x108;
	_ =	swait.ge @!p0 [sflag:s8], $0x0  }
0x24: {  	s3 =	sadd.s32 $0x88, s3;
	s6 =	simm.s32 @!p1 $0x1082;
	[sflag:s4] =	ssyncset.s32 $0xFFFFF086  }
0x25: {  	[simem:s6], [sflag:s4] =	dma.local [hbm:s3], $0xF7A  }
0x26: {  	[smem:$0x3F96] =	sst s1;
	(tag) =	ssettag s2;
	_ =	strace s9  }
0x27: {  	s1 =	sld [smem:$0x3FA6]  }
0x28: {  	s2 =	sld [smem:$0x3FA7]  }
0x29: {  	s4 =	sld [smem:$0x3FA9]  }
0x2a: {  	p0 =	seq.s32 s5, $0x0;
	s5 =	sld [smem:$0x3FAA]  }
0x2b: {  	s6 =	sld [smem:$0x3FAB]  }
0x2c: {  	s7 =	sld [smem:$0x3FAC]  }
0x2d: {  	s3 =	simm.s32 $0x108;
	s8 =	sld [smem:$0x3FAD]  }
0x2e: {  	s3 =	simm.s32 @!p0 $0x1082;
	s9 =	sld [smem:$0x3FAE]  }
0x2f: {  	lr =	sadd.s32 s0, s3;
	s0 =	sld [smem:$0x3FA5]  }
0x30: {  	s3 =	sld [smem:$0x3FA8]  }
0x31: {  	[smem:$0x3FB1] =	sst s10  }
0x32: {  	s10 =	sld [smem:$0x3FAF];
	_ =	sdelay $0x3  }
0x33: {  	p0 =	seq.s32 s10, $0x1;
	s10 =	sld [smem:$0x3FB1];
	_ =	sdelay $0x3  }
0x34: {  	[smem:$0x3FB1] =	sst s10  }
0x35: {  	s10 =	sld [smem:$0x3FB0];
	_ =	sdelay $0x3  }
0x36: {  	p1 =	seq.s32 s10, $0x1;
	s10 =	sld [smem:$0x3FB1];
	_ =	sdelay $0x3  }
0x37: {  	[smem:$0x3FB1] =	sst s10  }
0x38: {  	s10 =	sld [smem:$0x3FB2]  }
0x39: {  	_ = 	snop;
	(pc) =	sbr.ind lr, $3  }
0x3a: {  	_ = 	snop  }
0x3b: {  	_ = 	snop  }
0x3c: {  	p2 =	seq.s32 s10, $0x1;
	s10 =	sld [smem:$0x3FB1]  }
0x3d: {  	_ =	shalt  }
0x3e: {  	_ =	shalt  }
0x3f: {  	_ =	shalt  }
0x40: {  	_ =	shalt  }
0x41: {  	_ =	shalt  }
0x42: {  	_ =	shalt  }
0x43: {  	_ =	shalt  }
0x44: {  	_ =	shalt  }
0x45: {  	_ =	shalt  }
0x46: {  	_ =	shalt  }
0x47: {  	_ =	shalt  }
0x48: {  	_ =	shalt  }
0x49: {  	_ =	shalt  }
0x4a: {  	_ =	shalt  }
0x4b: {  	_ =	shalt  }
0x4c: {  	_ =	shalt  }
0x4d: {  	_ =	shalt  }
0x4e: {  	_ =	shalt  }
0x4f: {  	_ =	shalt  }
0x50: {  	_ =	shalt  }
0x51: {  	_ =	shalt  }
0x52: {  	_ =	shalt  }
0x53: {  	_ =	shalt  }
0x54: {  	_ =	shalt  }
0x55: {  	_ =	shalt  }
0x56: {  	_ =	shalt  }
0x57: {  	_ =	shalt  }
0x58: {  	_ =	shalt  }
0x59: {  	_ =	shalt  }
0x5a: {  	_ =	shalt  }
0x5b: {  	_ =	shalt  }
0x5c: {  	_ =	shalt  }
0x5d: {  	_ =	shalt  }
0x5e: {  	_ =	shalt  }
0x5f: {  	_ =	shalt  }
0x60: {  	_ =	shalt  }
0x61: {  	_ =	shalt  }
0x62: {  	_ =	shalt  }
0x63: {  	_ =	shalt  }
0x64: {  	_ =	shalt  }
0x65: {  	_ =	shalt  }
0x66: {  	_ =	shalt  }
0x67: {  	_ =	shalt  }
0x68: {  	_ =	shalt  }
0x69: {  	_ =	shalt  }
0x6a: {  	_ =	shalt  }
0x6b: {  	_ =	shalt  }
0x6c: {  	_ =	shalt  }
0x6d: {  	_ =	shalt  }
0x6e: {  	_ =	shalt  }
0x6f: {  	_ =	shalt  }
0x70: {  	_ =	shalt  }
0x71: {  	_ =	shalt  }
0x72: {  	_ =	shalt  }
0x73: {  	_ =	shalt  }
0x74: {  	_ =	shalt  }
0x75: {  	_ =	shalt  }
0x76: {  	_ =	shalt  }
0x77: {  	_ =	shalt  }
0x78: {  	_ =	shalt  }
0x79: {  	_ =	shalt  }
0x7a: {  	_ =	shalt  }
0x7b: {  	_ =	shalt  }
0x7c: {  	_ =	shalt  }
0x7d: {  	_ =	shalt  }
0x7e: {  	_ =	shalt  }
0x7f: {  	_ =	shalt  }
0x80: {  	_ =	shalt  }
0x81: {  	_ =	shalt  }
0x82: {  	_ =	shalt  }
0x83: {  	_ =	shalt  }
0x84: {  	_ =	shalt  }
0x85: {  	_ =	shalt  }
0x86: {  	_ =	shalt  }
0x87: {  	_ =	shalt  }
.Lfunc_end0:
.L_simem_size_0:
called_computation_lowered:
.L_overlay_start_0:
0x88: {  	s2 =	sld [smem:$0x3FD9]  }
0x89: {  	s3 =	sld [smem:$0x3FFE];
	_ =	sdelay $0x1  }
0x8a: {  	s1 =	srdreg.scid  }
0x8b: {  	s0 =	sand.u32 $0x1, s1  }
0x8c: {  	s17 =	sshll.u32 s0, $0xA;
	s2 =	sadd.s32 s3, s2  }
0x8d: {  	s2 =	sadd.s32 s2, s17  }
0x8e: {  	[smem:$0x3FBD] =	sst s2  }
0x8f: {  	_ = 	snop  }
0x90: {  	s4 =	sld [smem:$0x3FC9]  }
0x91: {  	s18 =	sld [smem:$0x3FD0];
	(tm) =	ssettm $0x1  }
0x92: {  	s19 =	sld [smem:$0x3FFB];
	_ =	sdelay $0x3  }
0x93: {  	_ =	strace s19  }
0x94: {  	s2 =	sld [smem:$0x3FFC];
	_ =	sdelay $0x3  }
0x95: {  	_ =	strace s2  }
0x96: {  	s2 =	sld [smem:$0x3FFD];
	_ =	sdelay $0x3  }
0x97: {  	_ =	strace s2  }
0x98: {  	_ =	strace $0x8FFFFFFF  }
0x99: {  	s20 =	sld [smem:$0x3FDB];
	_ =	sdelay $0x1  }
0x9a: {  	s5 =	simm.s32 $_scs_section_size  }
0x9b: {  	s6 =	simm.s32 $_size__tile_overlayer_lowered;
	s7 =	simm.s32 $_tile_overlayer_lowered  }
0x9c: {  	s8 =	simm.s32 $0x1BFF;
	s21 =	sshll.u32 s7, $0x1;
	s5 =	sadd.s32 s5, s20  }
0x9d: {  	s22 =	simm.s32 $0x0;
	s6 =	sshll.u32 s6, $0x1;
	s7 =	sadd.s32 s21, s5  }
0x9e: {  	[timem:s22], [sflag:s8] =	dma.local [hbm:s7], s6  }
0x9f: {  	_ =	swait.ge [sflag:s8], s6  }
0xa0: {  	s6 =	ssub.s32 $0x0, s6;
	[sflag:s8] =	ssyncset.done $0x0  }
0xa1: {  	[sflag:s8] =	ssyncadd.s32 s6;
	_ =	sdelay $0x1  }
0xa2: {  	s23 =	simm.s32 $0x1B8B  }
0xa3: {  	_ =	swait.ge [sflag:s23], $0x1  }
0xa4: {  	[sflag:s23] =	ssyncset.done $0x0  }
0xa5: {  	[sflag:s23] =	ssyncadd.s32 $0xFFFFFFFF  }
0xa6: {  	s6 =	sld [smem:$0x0]  }
0xa7: {  	s7 =	sand.u32 $0xFFFFFFFE, s1  }
0xa8: {  	p0 =	sne.s32 s1, s7  }
0xa9: {  	s7 =	sshll.u32 @p0 s7, $0xE  }
0xaa: {  	s7 =	sadd.s32 @p0 $0x11B8D, s7;
	s8 =	sshll.u32 @p0 s6, $0x11  }
0xab: {  	s7 =	sor.u32 @p0 s8, s7  }
0xac: {  	[sflag:s7] =	ssyncadd.remote.s32 @p0 $0x1;
	_ =	sdelay $0x1  }
0xad: {  	s7 =	simm.s32 @p0 $0x1B8D  }
0xae: {  	_ =	swait.eq @p0 [sflag:s7], $0x1  }
0xaf: {  	[sflag:s7] =	ssyncadd.s32 @p0 $0xFFFFFFFF  }
0xb0: {  	s8 =	sshll.u32 @!p0 s1, $0xE  }
0xb1: {  	s8 =	sor.u32 @!p0 $0x4000, s8;
	s7 =	simm.s32 @!p0 $0x1B8D  }
0xb2: {  	s6 =	sshll.u32 @!p0 s6, $0x11;
	s8 =	sadd.s32 @!p0 $0x11B8D, s8;
	_ =	swait.eq @!p0 [sflag:s7], $0x1  }
0xb3: {  	s6 =	sor.u32 @!p0 s6, s8;
	[sflag:s7] =	ssyncadd.s32 @!p0 $0xFFFFFFFF  }
0xb4: {  	s25 =	simm.s32 $0x1B8E;
	s24 =	sld [smem:$0x3FFE];
	[sflag:s6] =	ssyncadd.remote.s32 @!p0 $0x1  }
0xb5: {  	s26 =	simm.s32 $execute0_lowered;
	[smem:$0x3FD2] =	sst s25  }
0xb6: {  	s7 =	sshll.u32 s26, $0x1;
	_ =	strace $0x80000049;
	[dreg:$0x1] =	wrdreg $0xFFFFFFFF  }
0xb7: {  	s28 =	simm.s32 $_size_execute0_lowered;
	s5 =	sadd.s32 s5, s7;
	[dreg:$0x0] =	wrdreg $0x0  }
0xb8: {  	s7 =	sshll.u32 s28, $0x1;
	[dreg:$0x2] =	wrdreg s5  }
0xb9: {  	[dreg:$0x3] =	wrdreg s7  }
0xba: {  	[dreg:$0x4] =	wrdreg $0xC0  }
0xbb: {  	_ =	task [dreg:s22], $0x5FFFF  }
0xbc: {  	[dreg:$0x1] =	wrdreg $0xFFFFFFFF  }
0xbd: {  	[dreg:$0x0] =	wrdreg $0x60  }
0xbe: {  	[dreg:$0x2] =	wrdreg s4  }
0xbf: {  	[dreg:$0x3] =	wrdreg s24  }
0xc0: {  	[dreg:$0x4] =	wrdreg s18  }
0xc1: {  	[dreg:$0x5] =	wrdreg $0x88000  }
0xc2: {  	[dreg:$0x6] =	wrdreg $0x9  }
0xc3: {  	_ =	task.clear_ibuf [dreg:s22], $0x7FFFF;
	_ =	strace $0x90000049  }
0xc4: {  	s29 =	simm.s32 $0x9;
	_ =	strace $0x8000004B  }
0xc5: {  	_ =	swait.ge [sflag:s29], $0x1  }
0xc6: {  	[sflag:s29] =	ssyncadd.s32 $0xFFFFFFFF  }
0xc7: {  	_ =	strace $0x9000004B  }
0xc8: {  	_ =	sfence  }
0xc9: {  	s30 =	sld [smem:$0x0];
	_ =	sdelay $0x2  }
0xca: {  	s31 =	sshll.u32 s1, $0xD;
	s1 =	sshrl.u32 s1, $0x2  }
0xcb: {  	s4 =	sand.u32 $0x4000, s31;
	s1 =	sadd.s32 s1, s30  }
0xcc: {  	s0 =	sor.u32 s4, s0;
	s1 =	sshll.u32 s1, $0x11  }
0xcd: {  	s0 =	sor.u32 s1, s0  }
0xce: {  	s0 =	sadd.s32 $0x8F2B, s0  }
0xcf: {  	[sflag:s0] =	ssyncadd.remote.s32 $0x1  }
0xd0: {  	_ =	sfence.sel $0xFFFF  }
0xd1: {  	[dreg:$0x0] =	wrdreg $0xFFFFFFFF;
	(pc) =	sbr.abs _section_cstart, $3  }
0xd2: {  	[dreg:$0x1] =	wrdreg $0xFFFFFFFF  }
0xd3: {  	_ =	task.clear_ibuf [dreg:s22], $0x2FFFF;
	_ =	strace $0x9FFFFFFF  }
0xd4: {  	(tm) =	ssettm $0x7FFFFFFF  }
0xd5: {  	_ =	shalt  }
tec
execute0_lowered:
.L_overlay_start_1:
0x0: {  	(tag) =	ssettag $0x1  }
0x1: {  	s1 =	rddreg [dreg:$0x0]  }
0x2: {  	s0 =	rddreg [dreg:$0x1]  }
0x3: {  	s2 =	rddreg [dreg:$0x2]  }
0x4: {  	s3 =	rddreg [dreg:$0x3];
	s5 =	simm.s32 $0x0;
	s4 =	srdreg.scid  }
0x5: {  	s11 =	stileid.u32;
	s21 =	simm.s32 $0x2;
	s22 =	simm.s32 $0x400  }
0x6: {  	s23 =	simm.s32 $0x4800;
	s24 =	simm.s32 $0x80;
	[smem:$0x7FF] =	sst s5  }
0x7: {  	s4 =	sand.u32 $0x1, s4;
	s6 =	sadd.s32 $0x5C800, s0;
	s13 =	smul.u32 $0x280, s11  }
0x8: {  	s7 =	sadd.s32 $0x764800, s0;
	s10 =	smul.u32 $0x50000, s11;
	s0 =	sadd.s32 $0x61800, s0  }
0x9: {  	_ =	strace $0x8000004A;
	s8 =	ssub.s32 $0x2, s4;
	s25 =	sshll.u32 s4, $0x4  }
0xa: {  	s4 =	smul.u32 $0x2800, s4;
	s9 =	sshrl.u32 s8, $0x1;
	s14 =	sor.u32 s11, s25  }
0xb: {  	s26 =	sshrl.u32 s10, $0x2;
	s15 =	sadd.s32 $0x80, s13;
	s16 =	sadd.s32 $0x100, s13  }
0xc: {  	s17 =	sadd.s32 $0x180, s13;
	s18 =	sadd.s32 $0x200, s13;
	s25 =	simm.s32 $0x1  }
0xd: {  	s19 =	ssub.s32 s8, s9;
	s8 =	sadd.s32 s26, s3;
	s28 =	sshll.u32 s15, $0x7  }
0xe: {  	s29 =	sshll.u32 s16, $0x7;
	s30 =	sshll.u32 s17, $0x7;
	s12 =	sshll.u32 s18, $0x7  }
0xf: {  	s20 =	sadd.s32 s13, s4;
	s15 =	sadd.s32 s4, s15;
	s13 =	smul.u32 $0x28, s14  }
0x10: {  	s16 =	sadd.s32 s4, s16;
	s17 =	sadd.s32 s4, s17;
	s4 =	sadd.s32 s4, s18  }
0x11: {  	s26 =	simm.s32 $0x0;
	s9 =	sadd.s32 s28, s3;
	s10 =	sadd.s32 s29, s3  }
0x12: {  	s11 =	sadd.s32 s30, s3;
	s12 =	sadd.s32 s12, s3;
	s31 =	sshll.u32 s20, $0x4  }
0x13: {  	s15 =	sshll.u32 s15, $0x4;
	s16 =	sshll.u32 s16, $0x4;
	s17 =	sshll.u32 s17, $0x4  }
0x14: {  	s4 =	sshll.u32 s4, $0x4;
	s19 =	smax.u32 s19, $0x1;
	s20 =	simm.s32 $0x800  }
0x15: {  	s14 =	sadd.s32 s0, s31;
	s15 =	sadd.s32 s0, s15;
	s16 =	sadd.s32 s0, s16  }
0x16: {  	v0 =	vimm.f32 $0.0e+00;
	s17 =	sadd.s32 s0, s17;
	s18 =	sadd.s32 s0, s4;
	[dreg:$0x5] =	wrdreg s14  }
.LBB2_1:
0x17: {  	s0 =	simm.s32 $0x0;
	s4 =	simm.s32 $0x200  }
.LBB2_2:
0x18: {  	p0 =	sne.s32 s4, $0xFE00;
	[tilespmem:s0+$0x870] =	vst v0  }
0x19: {  	[tilespmem:s0+$0x800] =	vst v0  }
0x1a: {  	[tilespmem:s0+$0x810] =	vst v0  }
.Ltmp0:
0x1b: {  	[tilespmem:s0+$0x820] =	vst v0;
	(pc) =	sbr.rel @p0 .LBB2_2-.Ltmp0, $4  }
0x1c: {  	[tilespmem:s0+$0x830] =	vst v0  }
0x1d: {  	[tilespmem:s0+$0x840] =	vst v0  }
0x1e: {  	[tilespmem:s0+$0x850] =	vst v0  }
0x1f: {  	[tilespmem:s0+$0x860] =	vst v0;
	s0 =	sshra.s32 s4, $0x2;
	s4 =	sadd.s32 $0x200, s4  }
0x20: {  	[tilespmem:s0+$0x870] =	vst v0  }
0x21: {  	[tilespmem:s0+$0x800] =	vst v0  }
0x22: {  	[tilespmem:s0+$0x810] =	vst v0  }
0x23: {  	[tilespmem:s0+$0x820] =	vst v0  }
0x24: {  	[tilespmem:s0+$0x830] =	vst v0  }
0x25: {  	[tilespmem:s0+$0x840] =	vst v0  }
0x26: {  	[tilespmem:s0+$0x850] =	vst v0  }
0x27: {  	[tilespmem:s0+$0x860] =	vst v0  }
0x28: {  	[spmem:s8] =	stream.linear.scatter [tilespmem:s20], [sflag:$0x2], $0x4000, $0x38;
	[tilespmem:$0x1C800] =	vst v63  }
0x29: {  	_ =	swait.ge [sflag:s21], $0x4000  }
0x2a: {  	[sflag:s21] =	ssyncset.done $0x0  }
0x2b: {  	[sflag:s21] =	ssyncadd.s32 $0xFFFFC000  }
0x2c: {  	[spmem:s9] =	stream.linear.scatter [tilespmem:s20], [sflag:$0x2], $0x4000, $0x38;
	[tilespmem:$0x1C800] =	vst v63  }
0x2d: {  	_ =	swait.ge [sflag:s21], $0x4000  }
0x2e: {  	[sflag:s21] =	ssyncset.done $0x0  }
0x2f: {  	[sflag:s21] =	ssyncadd.s32 $0xFFFFC000  }
0x30: {  	[spmem:s10] =	stream.linear.scatter [tilespmem:s20], [sflag:$0x2], $0x4000, $0x38;
	[tilespmem:$0x1C800] =	vst v63  }
0x31: {  	_ =	swait.ge [sflag:s21], $0x4000  }
0x32: {  	[sflag:s21] =	ssyncset.done $0x0  }
0x33: {  	[sflag:s21] =	ssyncadd.s32 $0xFFFFC000  }
0x34: {  	[spmem:s11] =	stream.linear.scatter [tilespmem:s20], [sflag:$0x2], $0x4000, $0x38;
	[tilespmem:$0x1C800] =	vst v63  }
0x35: {  	_ =	swait.ge [sflag:s21], $0x4000  }
0x36: {  	[sflag:s21] =	ssyncset.done $0x0  }
0x37: {  	[sflag:s21] =	ssyncadd.s32 $0xFFFFC000  }
0x38: {  	[spmem:s12] =	stream.linear.scatter [tilespmem:s20], [sflag:$0x2], $0x4000, $0x38;
	[tilespmem:$0x1C800] =	vst v63  }
0x39: {  	_ =	swait.ge [sflag:s21], $0x4000  }
0x3a: {  	[sflag:s21] =	ssyncset.done $0x0  }
0x3b: {  	[sflag:s21] =	ssyncadd.s32 $0xFFFFC000  }
0x3c: {  	s28 =	simm.s32 $0x0;
	[bflag:$0x0] =	sbarrier.arrive $0xFFFF  }
.LBB2_4:
0x3d: {  	s0 =	sshll.u32 s28, $0x3  }
0x3e: {  	s29 =	sadd.s32 s13, s0  }
0x3f: {  	s0 =	sshll.u32 s29, $0x4  }
0x40: {  	s4 =	sadd.s32 s6, s0  }
0x41: {  	[tilespmem:s26], [sflag:$0x2] =	stream.linear.gather [hbm4b:s4+s26], $0x400, $0x38;
	[tilespmem:$0x1C800] =	vst v63  }
0x42: {  	_ =	swait.ge [sflag:s21], $0x400  }
0x43: {  	[sflag:s21] =	ssyncset.done $0x0  }
0x44: {  	s0 =	sadd.s32 s2, s0;
	[sflag:s21] =	ssyncadd.s32 $0xFFFFFC00  }
0x45: {  	[tilespmem:s22], [sflag:$0x2] =	stream.linear.gather [hbm4b:s0+s26], $0x400, $0x38;
	[tilespmem:$0x1C800] =	vst v63  }
0x46: {  	_ =	swait.ge [sflag:s21], $0x400  }
0x47: {  	[sflag:s21] =	ssyncset.done $0x0  }
0x48: {  	s30 =	simm.s32 $0x0;
	[sflag:s21] =	ssyncadd.s32 $0xFFFFFC00  }
.LBB2_5:
0x49: {  	s0 =	sadd.s32 s29, s30  }
0x4a: {  	s0 =	sshll.u32 s0, $0xB  }
0x4b: {  	s4 =	simm.s32 $0x0;
	s0 =	sadd.s32 s7, s0  }
0x4c: {  	[tilespmem:s23], [sflag:$0x2] =	stream.linear.gather [hbm4b:s0+s4], $0x4000, $0x38;
	[tilespmem:$0x1C800] =	vst v63  }
0x4d: {  	_ =	swait.ge [sflag:s21], $0x4000  }
0x4e: {  	[sflag:s21] =	ssyncset.done $0x0  }
0x4f: {  	s31 =	sshll.u32 s30, $0x7;
	[sflag:s21] =	ssyncadd.s32 $0xFFFFC000  }
0x50: {  	[tilespmem:s20], [sflag:$0x1] =	stream.indirect.gather [hbm4b:s1+s24], $0x80, s31, s24, $0xb8;
	[tilespmem:$0x1C800] =	vst v63  }
0x51: {  	_ =	swait.ge [sflag:s25], $0x4000  }
0x52: {  	[sflag:s25] =	ssyncset.done $0x0  }
0x53: {  	s0 =	simm.s32 $0x0;
	[sflag:s25] =	ssyncadd.s32 $0xFFFFC000  }
0x54: {  	v7 =	vld [tilespmem:s0+$0x4800]  }
0x55: {  	v12 =	vld [tilespmem:s0+$0x4810]  }
0x56: {  	v6 =	vld [tilespmem:s0+$0x4820]  }
0x57: {  	v5 =	vld [tilespmem:s0+$0x4830]  }
0x58: {  	v4 =	vld [tilespmem:s0+$0x4840]  }
0x59: {  	v3 =	vld [tilespmem:s0+$0x4850]  }
0x5a: {  	v2 =	vld [tilespmem:s0+$0x4860]  }
0x5b: {  	v1 =	vld [tilespmem:s0+$0x4870]  }
0x5c: {  	v13 =	vld [tilespmem:s0+$0x800]  }
0x5d: {  	v14 =	vld [tilespmem:s0+$0x810]  }
0x5e: {  	v11 =	vld [tilespmem:s0+$0x820]  }
0x5f: {  	v10 =	vld [tilespmem:s0+$0x830]  }
0x60: {  	v9 =	vld [tilespmem:s0+$0x840]  }
0x61: {  	v8 =	vld [tilespmem:s0+$0x850];
	v13 =	vadd.f32 v7, v13  }
0x62: {  	s4 =	simm.s32 $0x200;
	v12 =	vadd.f32 v12, v14;
	v7 =	vld [tilespmem:s0+$0x860]  }
.LBB2_6:
0x63: {  	s14 =	sshra.s32 s4, $0x2;
	p0 =	sne.s32 s4, $0xFE00;
	v13 =	vmax.f32 v13, $0.0e+00;
	v6 =	vadd.f32 v6, v11;
	v11 =	vld [tilespmem:s0+$0x870]  }
0x64: {  	v14 =	vld [tilespmem:s14+$0x4800];
	[tilespmem:s0+$0x800] =	vst v13;
	v12 =	vmax.f32 v12, $0.0e+00;
	v5 =	vadd.f32 v5, v10  }
0x65: {  	v15 =	vld [tilespmem:s14+$0x4810];
	[tilespmem:s0+$0x810] =	vst v12;
	v10 =	vmax.f32 v6, $0.0e+00;
	v4 =	vadd.f32 v4, v9  }
0x66: {  	v6 =	vld [tilespmem:s14+$0x4820];
	[tilespmem:s0+$0x820] =	vst v10;
	v9 =	vmax.f32 v5, $0.0e+00;
	v3 =	vadd.f32 v3, v8  }
0x67: {  	v5 =	vld [tilespmem:s14+$0x4830];
	[tilespmem:s0+$0x830] =	vst v9;
	v8 =	vmax.f32 v4, $0.0e+00;
	v2 =	vadd.f32 v2, v7  }
0x68: {  	v4 =	vld [tilespmem:s14+$0x4840];
	[tilespmem:s0+$0x840] =	vst v8;
	v7 =	vmax.f32 v3, $0.0e+00;
	v1 =	vadd.f32 v1, v11  }
0x69: {  	v3 =	vld [tilespmem:s14+$0x4850];
	[tilespmem:s0+$0x850] =	vst v7;
	v7 =	vmax.f32 v2, $0.0e+00  }
0x6a: {  	v2 =	vld [tilespmem:s14+$0x4860];
	[tilespmem:s0+$0x860] =	vst v7;
	v7 =	vmax.f32 v1, $0.0e+00  }
0x6b: {  	v1 =	vld [tilespmem:s14+$0x4870];
	[tilespmem:s0+$0x870] =	vst v7;
	s0 =	smov.u32 s14  }
0x6c: {  	v7 =	vld [tilespmem:s0+$0x800]  }
0x6d: {  	v12 =	vld [tilespmem:s0+$0x810]  }
.Ltmp1:
0x6e: {  	v11 =	vld [tilespmem:s0+$0x820];
	(pc) =	sbr.rel @p0 .LBB2_6-.Ltmp1, $4  }
0x6f: {  	v10 =	vld [tilespmem:s0+$0x830]  }
0x70: {  	v9 =	vld [tilespmem:s0+$0x840]  }
0x71: {  	v13 =	vadd.f32 v14, v7;
	v8 =	vld [tilespmem:s0+$0x850]  }
0x72: {  	s4 =	sadd.s32 $0x200, s4;
	v12 =	vadd.f32 v15, v12;
	v7 =	vld [tilespmem:s0+$0x860]  }
0x73: {  	v13 =	vmax.f32 v13, $0.0e+00;
	v6 =	vadd.f32 v6, v11;
	v63 =	vld [tilespmem:s0+$0x870]  }
0x74: {  	[tilespmem:s0+$0x800] =	vst v13;
	v12 =	vmax.f32 v12, $0.0e+00;
	v5 =	vadd.f32 v5, v10  }
0x75: {  	[tilespmem:s0+$0x810] =	vst v12;
	v6 =	vmax.f32 v6, $0.0e+00;
	v4 =	vadd.f32 v4, v9  }
0x76: {  	[tilespmem:s0+$0x820] =	vst v6;
	v5 =	vmax.f32 v5, $0.0e+00;
	v3 =	vadd.f32 v3, v8  }
0x77: {  	[tilespmem:s0+$0x830] =	vst v5;
	v4 =	vmax.f32 v4, $0.0e+00;
	v2 =	vadd.f32 v2, v7  }
0x78: {  	[tilespmem:s0+$0x840] =	vst v4;
	v3 =	vmax.f32 v3, $0.0e+00;
	v1 =	vadd.f32 v1, v63  }
0x79: {  	s30 =	sadd.s32 $0x1, s30;
	[tilespmem:s0+$0x850] =	vst v3;
	v2 =	vmax.f32 v2, $0.0e+00  }
0x7a: {  	p0 =	sne.s32 s30, $0x8;
	[tilespmem:s0+$0x860] =	vst v2;
	v1 =	vmax.f32 v1, $0.0e+00  }
.Ltmp2:
0x7b: {  	s31 =	sadd.s32 $0x400, s31;
	[tilespmem:s0+$0x870] =	vst v1;
	(pc) =	sbr.rel @p0 .LBB2_5-.Ltmp2, $4  }
0x7c: {  	[spmem:s3] =	stream.indirect.scatter.add.f32 [tilespmem:s20], [sflag:$0x2], $0x80, s31, s24, $0xb8;
	[tilespmem:$0x1C800] =	vst v63  }
0x7d: {  	_ =	swait.ge [sflag:s21], $0x4000  }
0x7e: {  	[sflag:s21] =	ssyncset.done $0x0  }
0x7f: {  	[sflag:s21] =	ssyncadd.s32 $0xFFFFC000  }
0x80: {  	s28 =	sadd.s32 $0x1, s28  }
0x81: {  	p0 =	sne.s32 s28, $0x5  }
.Ltmp3:
0x82: {  	_ = 	snop;
	(pc) =	sbr.rel @p0 .LBB2_4-.Ltmp3, $1  }
0x83: {  	_ =	sdelay $0x3  }
0x84: {  	s0 =	stileid.u32  }
0x85: {  	[bflag:$0x0] =	sbarrier.arrive $0xFFFF;
	s0 =	sshll.u32 s0, $0x6  }
0x86: {  	s4 =	sshrl.u32 s8, $0x3;
	s14 =	rddreg [dreg:$0x5];
	s0 =	sor.u32 $0x1C02, s0  }
0x87: {  	[hbm:s14], [sflag:s0] =	dma.local [spmem:s4], $0x800  }
0x88: {  	_ =	swait.ge [sflag:s21], $0x800  }
0x89: {  	[sflag:s21] =	ssyncset.done $0x0  }
0x8a: {  	s28 =	sshrl.u32 s9, $0x3;
	[sflag:s21] =	ssyncadd.s32 $0xFFFFF800  }
0x8b: {  	[hbm:s15], [sflag:s0] =	dma.local [spmem:s28], $0x800  }
0x8c: {  	_ =	swait.ge [sflag:s21], $0x800  }
0x8d: {  	[sflag:s21] =	ssyncset.done $0x0  }
0x8e: {  	s29 =	sshrl.u32 s10, $0x3;
	[sflag:s21] =	ssyncadd.s32 $0xFFFFF800  }
0x8f: {  	[hbm:s16], [sflag:s0] =	dma.local [spmem:s29], $0x800  }
0x90: {  	_ =	swait.ge [sflag:s21], $0x800  }
0x91: {  	[sflag:s21] =	ssyncset.done $0x0  }
0x92: {  	s30 =	sshrl.u32 s11, $0x3;
	[sflag:s21] =	ssyncadd.s32 $0xFFFFF800  }
0x93: {  	[hbm:s17], [sflag:s0] =	dma.local [spmem:s30], $0x800  }
0x94: {  	s5 =	sadd.s32 $0x1, s5;
	_ =	swait.ge [sflag:s21], $0x800  }
0x95: {  	p0 =	sne.s32 s5, s19;
	[sflag:s21] =	ssyncset.done $0x0  }
.Ltmp4:
0x96: {  	s31 =	sshrl.u32 s12, $0x3;
	[sflag:s21] =	ssyncadd.s32 $0xFFFFF800;
	(pc) =	sbr.rel @p0 .LBB2_1-.Ltmp4, $4  }
0x97: {  	[hbm:s18], [sflag:s0] =	dma.local [spmem:s31], $0x800  }
0x98: {  	_ =	swait.ge [sflag:s21], $0x800  }
0x99: {  	[sflag:s21] =	ssyncset.done $0x0  }
0x9a: {  	[sflag:s21] =	ssyncadd.s32 $0xFFFFF800  }
0x9b: {  	_ =	sfence.sel $0x180000  }
0x9c: {  	[bflag:$0x0] =	sbarrier.arrive $0xFFFF  }
0x9d: {  	_ =	strace $0x9000004A  }
0x9e: {  	s0 =	stileid.u32;
	[bflag:$0x2] =	sbarrier.arrive $0xFFFF  }
0x9f: {  	p0 =	sne.s32 s0, $0x0;
	s0 =	rddreg [dreg:$0x4]  }
0xa0: {  	s0 =	sadd.s32 @!p0 $0x100000, s0  }
0xa1: {  	[sflag:s0] =	ssyncadd.tile.s32 @!p0 $0x1;
	_ =	shalt  }
.Lfunc_end2:
_tile_overlayer_lowered:
.L_overlay_start_2:
0xa2: {  	(tag) =	ssettag $0x2  }
0xa3: {  	s0 =	rddreg [dreg:$0x0];
	s2 =	stileid.u32  }
0xa4: {  	s1 =	rddreg [dreg:$0x1];
	p0 =	sne.s32 s2, $0x0  }
0xa5: {  	s3 =	rddreg [dreg:$0x2];
	[bflag:$0x3] =	sbarrier.arrive $0xFFFF;
	s2 =	simm.s32 @!p0 $0x1C02  }
0xa6: {  	[timem:s3], [sflag:s2] =	dma.local @!p0 [hbm:s0], s1  }
0xa7: {  	s0 =	simm.s32 @!p0 $0x2  }
0xa8: {  	_ =	swait.ge @!p0 [sflag:s0], s1  }
0xa9: {  	s1 =	ssub.s32 @!p0 $0x0, s1;
	[sflag:s0] =	ssyncset.done @!p0 $0x0  }
0xaa: {  	[sflag:s0] =	ssyncadd.s32 @!p0 s1  }
0xab: {  	[bflag:$0x3] =	sbarrier.arrive $0xFFFF  }
0xac: {  	_ =	shalt  }

</sc_bundles>
